<compile_context>
chip_gen: v7x
topology: tpu7x:2x2x1
jax: 0.10.2.dev20260603
libtpu: 0.0.44.dev20260713+nightly
codegen_flags: <defaults>
</compile_context>

<pallas_src>
import functools

import jax
import jax.numpy as jnp
from jax import lax
from jax.experimental import pallas as pl
from jax.experimental.pallas import tpu as pltpu
from jax.experimental.pallas import tpu_sc as plsc

V, D, B, L = 1000000, 64, 16384, 50

BKW = 32768
FGRID = (V + BKW - 1) // BKW


def _fold_body(embT_ref, wT_ref, p_ref):
    p_ref[...] = jnp.sum(embT_ref[...] * wT_ref[...], axis=0)


def _fold(embT, wT):
    return pl.pallas_call(
        _fold_body,
        grid=(FGRID,),
        in_specs=[
            pl.BlockSpec((D, BKW), lambda i: (0, i)),
            pl.BlockSpec((D, 1), lambda i: (0, 0)),
        ],
        out_specs=pl.BlockSpec((BKW,), lambda i: (i,)),
        out_shape=jax.ShapeDtypeStruct((V,), jnp.float32),
    )(embT, wT)


NC, NS = 2, 16
NW = NC * NS
NB = B // NW
NE = NB * L
CHUNKS = NB // 16


def _sc_pool_body(xf_hbm, p_hbm, fcb_hbm, out_hbm, idx_v, val_v, out_v, fcb_v, sem):
    wid = lax.axis_index("s") * NC + lax.axis_index("c")
    base = wid * NB

    pltpu.sync_copy(xf_hbm.at[pl.ds(wid * NE, NE)], idx_v)
    pltpu.sync_copy(fcb_hbm, fcb_v)
    pltpu.async_copy(p_hbm.at[idx_v], val_v, sem).wait()

    fcb16 = fcb_v[...]
    lane = lax.iota(jnp.int32, 16)
    lane_off = lane * L

    def chunk_body(c, carry):
        bvec = c * (16 * L) + lane_off
        acc = jnp.zeros((16,), jnp.float32)
        cnt = jnp.zeros((16,), jnp.float32)
        one = jnp.ones((16,), jnp.float32)
        zero = jnp.zeros((16,), jnp.float32)
        for l in range(L):
            g = bvec + l
            acc = acc + plsc.load_gather(val_v, [g])
            tok = plsc.load_gather(idx_v, [g])
            cnt = cnt + jnp.where(tok != 0, one, zero)
        out_v[pl.ds(c * 16, 16)] = acc / jnp.maximum(cnt, one) + fcb16
        return carry

    lax.fori_loop(0, CHUNKS, chunk_body, 0)
    pltpu.sync_copy(out_v, out_hbm.at[pl.ds(base, NB)])


@functools.lru_cache(maxsize=1)
def _make_sc_pool():
    mesh = plsc.VectorSubcoreMesh(
        core_axis_name="c", subcore_axis_name="s", num_cores=NC)
    return pl.kernel(
        _sc_pool_body,
        out_type=jax.ShapeDtypeStruct((B,), jnp.float32),
        mesh=mesh,
        scratch_types=[
            pltpu.VMEM((NE,), jnp.int32),
            pltpu.VMEM((NE,), jnp.float32),
            pltpu.VMEM((NB,), jnp.float32),
            pltpu.VMEM((16,), jnp.float32),
            pltpu.SemaphoreType.DMA,
        ],
        compiler_params=pltpu.CompilerParams(
            needs_layout_passes=False, use_tc_tiling_on_sc=False),
    )


def kernel(x, emb, fc_w, fc_b):
    embT = emb.T
    wT = fc_w.reshape(D, 1)
    p = _fold(embT, wT)
    xf = x.reshape(B * L)
    fcb16 = jnp.broadcast_to(fc_b.astype(jnp.float32), (16,))
    return _make_sc_pool()(xf, p, fcb16)

# --- scband reference (transcript-rebuilt; emitter-appended) ---
"""Pipeline reference for scband-bag-of-embeddings-90417651515668 (READ-ONLY COPY).

The authoritative reference and input builder live on the scoring server;
editing this copy changes nothing except your own understanding.
"""

import jax, jax.numpy as jnp
import numpy as np

V, D, B, L = 1000000, 64, 16384, 50

def setup_inputs(seed: int = 0) -> dict:
    key = jax.random.key(seed)
    k1, k2, k3 = jax.random.split(key, 3)
    x = jax.random.randint(k1, (B, L), 0, V, dtype=jnp.int32)
    emb = jax.random.normal(k2, (V, D), dtype=jnp.float32) * 0.02
    emb = emb.at[0].set(0.0)  # padding_idx=0 row is zero in torch nn.Embedding
    k3a, k3b = jax.random.split(k3)
    fc_w = jax.random.normal(k3a, (1, D), dtype=jnp.float32) * (1.0 / np.sqrt(D))
    fc_b = jnp.zeros((1,), dtype=jnp.float32)
    return {"x": x, "emb": emb, "fc_w": fc_w, "fc_b": fc_b}

def reference(x, emb, fc_w, fc_b):
    # BagOfEmbeddings.forward (eval mode: dropout is identity)
    mask = (x != 0)
    h = jnp.take(emb, x, axis=0)                      # [B, L, D] gather
    lengths = jnp.clip(mask.sum(axis=1), 1, None).astype(h.dtype)[:, None]  # [B, 1]
    pooled = (h * mask[:, :, None].astype(h.dtype)).sum(axis=1) / lengths   # [B, D]
    out = pooled @ fc_w.T + fc_b                      # [B, 1]
    return out.squeeze(1)                             # [B]

if __name__ == "__main__":
    import jax
    _d = setup_inputs()
    print(jax.jit(kernel)(*tuple(_d.values())))

</pallas_src>

<mosaic_0001>
#map = affine_map<(d0, d1) -> (0)>
module attributes {stable_mosaic.version = 14 : i64} {
  func.func @_sc_pool_body(%arg0: i32, %arg1: i32, %arg2: memref<819200xi32, #tpu.memory_space<hbm>>, %arg3: memref<1000000xf32, #tpu.memory_space<hbm>>, %arg4: memref<16xf32, #tpu.memory_space<hbm>>, %arg5: memref<16384xf32, #tpu.memory_space<hbm>>, %arg6: memref<25600xi32, #tpu.memory_space<vmem>>, %arg7: memref<25600xf32, #tpu.memory_space<vmem>>, %arg8: memref<512xf32, #tpu.memory_space<vmem>>, %arg9: memref<16xf32, #tpu.memory_space<vmem>>, %arg10: memref<!tpu.dma_semaphore, #tpu.memory_space<semaphore_mem>>) attributes {dimension_semantics = [#tpu.dimension_semantics<core_parallel>, #tpu.dimension_semantics<subcore_parallel>], iteration_bounds = array<i64: 2, 16>, scalar_prefetch = 0 : i64, scratch_operands = 5 : i64, tpu.core_type = #tpu.core_type<sc_vector_subcore>, window_params = [{transform_indices = #map}, {transform_indices = #map}, {transform_indices = #map}, {transform_indices = #map}]} {
    %mul3A = arith.constant 2 : i32
    %mul3A_0 = arith.muli %arg1, %mul3A : i32
    %add3A = arith.addi %mul3A_0, %arg0 : i32
    %mul3A_1 = arith.constant 512 : i32
    %mul3A_2 = arith.muli %add3A, %mul3A_1 : i32
    %mul3A_3 = arith.constant 25600 : i32
    %mul3A_4 = arith.muli %add3A, %mul3A_3 : i32
    "tpu.region"() ({
      %run_scoped3A = tpu.sem_alloc : memref<!tpu.dma_semaphore, #tpu.memory_space<semaphore_mem>>
      %dma_start3A_16 = tpu.memref_slice %arg2[%mul3A_4] : memref<819200xi32, #tpu.memory_space<hbm>> -> memref<25600xi32, #tpu.memory_space<hbm>>
      %dma_start3A_17 = tpu.memref_slice %arg2[%mul3A_4] : memref<819200xi32, #tpu.memory_space<hbm>> -> memref<25600xi32, #tpu.memory_space<hbm>>
      tpu.enqueue_dma source(%dma_start3A_17 : memref<25600xi32, #tpu.memory_space<hbm>>) target(%arg6 : memref<25600xi32, #tpu.memory_space<vmem>>) target_semaphore(%run_scoped3A : memref<!tpu.dma_semaphore, #tpu.memory_space<semaphore_mem>>)
      %dma_wait3A_18 = tpu.memref_slice %arg2[%mul3A_4] : memref<819200xi32, #tpu.memory_space<hbm>> -> memref<25600xi32, #tpu.memory_space<hbm>>
      %dma_wait3A_19 = tpu.memref_slice %arg2[%mul3A_4] : memref<819200xi32, #tpu.memory_space<hbm>> -> memref<25600xi32, #tpu.memory_space<hbm>>
      tpu.wait_dma2 semaphore(%run_scoped3A : memref<!tpu.dma_semaphore, #tpu.memory_space<semaphore_mem>>) src(%dma_wait3A_19 : memref<25600xi32, #tpu.memory_space<hbm>>) dst(%arg6 : memref<25600xi32, #tpu.memory_space<vmem>>)
      tpu.yield
    }) : () -> ()
    "tpu.region"() ({
      %run_scoped3A = tpu.sem_alloc : memref<!tpu.dma_semaphore, #tpu.memory_space<semaphore_mem>>
      tpu.enqueue_dma source(%arg4 : memref<16xf32, #tpu.memory_space<hbm>>) target(%arg9 : memref<16xf32, #tpu.memory_space<vmem>>) target_semaphore(%run_scoped3A : memref<!tpu.dma_semaphore, #tpu.memory_space<semaphore_mem>>)
      tpu.wait_dma2 semaphore(%run_scoped3A : memref<!tpu.dma_semaphore, #tpu.memory_space<semaphore_mem>>) src(%arg4 : memref<16xf32, #tpu.memory_space<hbm>>) dst(%arg9 : memref<16xf32, #tpu.memory_space<vmem>>)
      tpu.yield
    }) : () -> ()
    %dma_start3A = arith.constant 0 : i32
    %dma_start3A_5 = tpu.memref_slice %arg3[%dma_start3A] : memref<1000000xf32, #tpu.memory_space<hbm>> -> memref<1000000xf32, #tpu.memory_space<hbm>>
    tpu.enqueue_indirect_dma source(%dma_start3A_5 : memref<1000000xf32, #tpu.memory_space<hbm>>) target(%arg7 : memref<25600xf32, #tpu.memory_space<vmem>>) offsets(%arg6 : memref<25600xi32, #tpu.memory_space<vmem>>) semaphore(%arg10 : memref<!tpu.dma_semaphore, #tpu.memory_space<semaphore_mem>>)
    %dma_wait3A = arith.constant 0 : i32
    %dma_wait3A_6 = tpu.memref_slice %arg3[%dma_wait3A] : memref<1000000xf32, #tpu.memory_space<hbm>> -> memref<1000000xf32, #tpu.memory_space<hbm>>
    tpu.wait_indirect_dma semaphore(%arg10 : memref<!tpu.dma_semaphore, #tpu.memory_space<semaphore_mem>>) src(%dma_wait3A_6 : memref<1000000xf32, #tpu.memory_space<hbm>>) dst(%arg7 : memref<25600xf32, #tpu.memory_space<vmem>>)
    %get3A = arith.constant 0 : index
    %get3A_7 = tpu.vector_load %arg9[%get3A] {strides = array<i32>} : memref<16xf32, #tpu.memory_space<vmem>>, vector<16xf32>,
    %iota3A = tpu.iota {dimensions = array<i32: 0>} : vector<16xi32>
    %mul3A_8 = arith.constant 50 : i32
    %mul3A_9 = vector.broadcast %mul3A_8 : i32 to vector<16xi32>
    %mul3A_10 = arith.muli %iota3A, %mul3A_9 : vector<16xi32>
    %scan3A = arith.constant 0 : i32
    %scan3A_11 = arith.constant 0 : i32
    %scan3A_12 = arith.constant 32 : i32
    %scan3A_13 = arith.addi %scan3A_11, %scan3A_12 : i32
    %scan3A_14 = arith.constant 1 : i32
    scf.for %scan3A_16 = %scan3A_11 to %scan3A_13 step %scan3A_14  : i32 {
      %mul3A_17 = arith.constant 800 : i32
      %mul3A_18 = arith.muli %scan3A_16, %mul3A_17 : i32
      %add3A_19 = vector.broadcast %mul3A_18 : i32 to vector<16xi32>
      %add3A_20 = arith.addi %add3A_19, %mul3A_10 : vector<16xi32>
      %broadcast_in_dim3A = arith.constant 0.000000e+00 : f32
      %broadcast_in_dim3A_21 = vector.broadcast %broadcast_in_dim3A : f32 to vector<16xf32>
      %broadcast_in_dim3A_22 = arith.constant 0.000000e+00 : f32
      %broadcast_in_dim3A_23 = vector.broadcast %broadcast_in_dim3A_22 : f32 to vector<16xf32>
      %broadcast_in_dim3A_24 = arith.constant 1.000000e+00 : f32
      %broadcast_in_dim3A_25 = vector.broadcast %broadcast_in_dim3A_24 : f32 to vector<16xf32>
      %broadcast_in_dim3A_26 = arith.constant 0.000000e+00 : f32
      %broadcast_in_dim3A_27 = vector.broadcast %broadcast_in_dim3A_26 : f32 to vector<16xf32>
      %add3A_28 = arith.constant 0 : i32
      %add3A_29 = vector.broadcast %add3A_28 : i32 to vector<16xi32>
      %add3A_30 = arith.addi %add3A_20, %add3A_29 : vector<16xi32>
      %gather3A = tpu.vector_load_idx %arg7[%add3A_30] : memref<25600xf32, #tpu.memory_space<vmem>>[vector<16xi32>], vector<16xf32>,
      %add3A_31 = arith.addf %broadcast_in_dim3A_21, %gather3A : vector<16xf32>
      %gather3A_32 = tpu.vector_load_idx %arg6[%add3A_30] : memref<25600xi32, #tpu.memory_space<vmem>>[vector<16xi32>], vector<16xi32>,
      %ne3A = arith.constant 0 : i32
      %ne3A_33 = vector.broadcast %ne3A : i32 to vector<16xi32>
      %ne3A_34 = arith.cmpi ne, %gather3A_32, %ne3A_33 : vector<16xi32>
      %select_n3A = arith.select %ne3A_34, %broadcast_in_dim3A_25, %broadcast_in_dim3A_27 : vector<16xi1>, vector<16xf32>
      %add3A_35 = arith.addf %broadcast_in_dim3A_23, %select_n3A : vector<16xf32>
      %add3A_36 = arith.constant 1 : i32
      %add3A_37 = vector.broadcast %add3A_36 : i32 to vector<16xi32>
      %add3A_38 = arith.addi %add3A_20, %add3A_37 : vector<16xi32>
      %gather3A_39 = tpu.vector_load_idx %arg7[%add3A_38] : memref<25600xf32, #tpu.memory_space<vmem>>[vector<16xi32>], vector<16xf32>,
      %add3A_40 = arith.addf %add3A_31, %gather3A_39 : vector<16xf32>
      %gather3A_41 = tpu.vector_load_idx %arg6[%add3A_38] : memref<25600xi32, #tpu.memory_space<vmem>>[vector<16xi32>], vector<16xi32>,
      %ne3A_42 = arith.constant 0 : i32
      %ne3A_43 = vector.broadcast %ne3A_42 : i32 to vector<16xi32>
      %ne3A_44 = arith.cmpi ne, %gather3A_41, %ne3A_43 : vector<16xi32>
      %select_n3A_45 = arith.select %ne3A_44, %broadcast_in_dim3A_25, %broadcast_in_dim3A_27 : vector<16xi1>, vector<16xf32>
      %add3A_46 = arith.addf %add3A_35, %select_n3A_45 : vector<16xf32>
      %add3A_47 = arith.constant 2 : i32
      %add3A_48 = vector.broadcast %add3A_47 : i32 to vector<16xi32>
      %add3A_49 = arith.addi %add3A_20, %add3A_48 : vector<16xi32>
      %gather3A_50 = tpu.vector_load_idx %arg7[%add3A_49] : memref<25600xf32, #tpu.memory_space<vmem>>[vector<16xi32>], vector<16xf32>,
      %add3A_51 = arith.addf %add3A_40, %gather3A_50 : vector<16xf32>
      %gather3A_52 = tpu.vector_load_idx %arg6[%add3A_49] : memref<25600xi32, #tpu.memory_space<vmem>>[vector<16xi32>], vector<16xi32>,
      %ne3A_53 = arith.constant 0 : i32
      %ne3A_54 = vector.broadcast %ne3A_53 : i32 to vector<16xi32>
      %ne3A_55 = arith.cmpi ne, %gather3A_52, %ne3A_54 : vector<16xi32>
      %select_n3A_56 = arith.select %ne3A_55, %broadcast_in_dim3A_25, %broadcast_in_dim3A_27 : vector<16xi1>, vector<16xf32>
      %add3A_57 = arith.addf %add3A_46, %select_n3A_56 : vector<16xf32>
      %add3A_58 = arith.constant 3 : i32
      %add3A_59 = vector.broadcast %add3A_58 : i32 to vector<16xi32>
      %add3A_60 = arith.addi %add3A_20, %add3A_59 : vector<16xi32>
      %gather3A_61 = tpu.vector_load_idx %arg7[%add3A_60] : memref<25600xf32, #tpu.memory_space<vmem>>[vector<16xi32>], vector<16xf32>,
      %add3A_62 = arith.addf %add3A_51, %gather3A_61 : vector<16xf32>
      %gather3A_63 = tpu.vector_load_idx %arg6[%add3A_60] : memref<25600xi32, #tpu.memory_space<vmem>>[vector<16xi32>], vector<16xi32>,
      %ne3A_64 = arith.constant 0 : i32
      %ne3A_65 = vector.broadcast %ne3A_64 : i32 to vector<16xi32>
      %ne3A_66 = arith.cmpi ne, %gather3A_63, %ne3A_65 : vector<16xi32>
      %select_n3A_67 = arith.select %ne3A_66, %broadcast_in_dim3A_25, %broadcast_in_dim3A_27 : vector<16xi1>, vector<16xf32>
      %add3A_68 = arith.addf %add3A_57, %select_n3A_67 : vector<16xf32>
      %add3A_69 = arith.constant 4 : i32
      %add3A_70 = vector.broadcast %add3A_69 : i32 to vector<16xi32>
      %add3A_71 = arith.addi %add3A_20, %add3A_70 : vector<16xi32>
      %gather3A_72 = tpu.vector_load_idx %arg7[%add3A_71] : memref<25600xf32, #tpu.memory_space<vmem>>[vector<16xi32>], vector<16xf32>,
      %add3A_73 = arith.addf %add3A_62, %gather3A_72 : vector<16xf32>
      %gather3A_74 = tpu.vector_load_idx %arg6[%add3A_71] : memref<25600xi32, #tpu.memory_space<vmem>>[vector<16xi32>], vector<16xi32>,
      %ne3A_75 = arith.constant 0 : i32
      %ne3A_76 = vector.broadcast %ne3A_75 : i32 to vector<16xi32>
      %ne3A_77 = arith.cmpi ne, %gather3A_74, %ne3A_76 : vector<16xi32>
      %select_n3A_78 = arith.select %ne3A_77, %broadcast_in_dim3A_25, %broadcast_in_dim3A_27 : vector<16xi1>, vector<16xf32>
      %add3A_79 = arith.addf %add3A_68, %select_n3A_78 : vector<16xf32>
      %add3A_80 = arith.constant 5 : i32
      %add3A_81 = vector.broadcast %add3A_80 : i32 to vector<16xi32>
      %add3A_82 = arith.addi %add3A_20, %add3A_81 : vector<16xi32>
      %gather3A_83 = tpu.vector_load_idx %arg7[%add3A_82] : memref<25600xf32, #tpu.memory_space<vmem>>[vector<16xi32>], vector<16xf32>,
      %add3A_84 = arith.addf %add3A_73, %gather3A_83 : vector<16xf32>
      %gather3A_85 = tpu.vector_load_idx %arg6[%add3A_82] : memref<25600xi32, #tpu.memory_space<vmem>>[vector<16xi32>], vector<16xi32>,
      %ne3A_86 = arith.constant 0 : i32
      %ne3A_87 = vector.broadcast %ne3A_86 : i32 to vector<16xi32>
      %ne3A_88 = arith.cmpi ne, %gather3A_85, %ne3A_87 : vector<16xi32>
      %select_n3A_89 = arith.select %ne3A_88, %broadcast_in_dim3A_25, %broadcast_in_dim3A_27 : vector<16xi1>, vector<16xf32>
      %add3A_90 = arith.addf %add3A_79, %select_n3A_89 : vector<16xf32>
      %add3A_91 = arith.constant 6 : i32
      %add3A_92 = vector.broadcast %add3A_91 : i32 to vector<16xi32>
      %add3A_93 = arith.addi %add3A_20, %add3A_92 : vector<16xi32>
      %gather3A_94 = tpu.vector_load_idx %arg7[%add3A_93] : memref<25600xf32, #tpu.memory_space<vmem>>[vector<16xi32>], vector<16xf32>,
      %add3A_95 = arith.addf %add3A_84, %gather3A_94 : vector<16xf32>
      %gather3A_96 = tpu.vector_load_idx %arg6[%add3A_93] : memref<25600xi32, #tpu.memory_space<vmem>>[vector<16xi32>], vector<16xi32>,
      %ne3A_97 = arith.constant 0 : i32
      %ne3A_98 = vector.broadcast %ne3A_97 : i32 to vector<16xi32>
      %ne3A_99 = arith.cmpi ne, %gather3A_96, %ne3A_98 : vector<16xi32>
      %select_n3A_100 = arith.select %ne3A_99, %broadcast_in_dim3A_25, %broadcast_in_dim3A_27 : vector<16xi1>, vector<16xf32>
      %add3A_101 = arith.addf %add3A_90, %select_n3A_100 : vector<16xf32>
      %add3A_102 = arith.constant 7 : i32
      %add3A_103 = vector.broadcast %add3A_102 : i32 to vector<16xi32>
      %add3A_104 = arith.addi %add3A_20, %add3A_103 : vector<16xi32>
      %gather3A_105 = tpu.vector_load_idx %arg7[%add3A_104] : memref<25600xf32, #tpu.memory_space<vmem>>[vector<16xi32>], vector<16xf32>,
      %add3A_106 = arith.addf %add3A_95, %gather3A_105 : vector<16xf32>
      %gather3A_107 = tpu.vector_load_idx %arg6[%add3A_104] : memref<25600xi32, #tpu.memory_space<vmem>>[vector<16xi32>], vector<16xi32>,
      %ne3A_108 = arith.constant 0 : i32
      %ne3A_109 = vector.broadcast %ne3A_108 : i32 to vector<16xi32>
      %ne3A_110 = arith.cmpi ne, %gather3A_107, %ne3A_109 : vector<16xi32>
      %select_n3A_111 = arith.select %ne3A_110, %broadcast_in_dim3A_25, %broadcast_in_dim3A_27 : vector<16xi1>, vector<16xf32>
      %add3A_112 = arith.addf %add3A_101, %select_n3A_111 : vector<16xf32>
      %add3A_113 = arith.constant 8 : i32
      %add3A_114 = vector.broadcast %add3A_113 : i32 to vector<16xi32>
      %add3A_115 = arith.addi %add3A_20, %add3A_114 : vector<16xi32>
      %gather3A_116 = tpu.vector_load_idx %arg7[%add3A_115] : memref<25600xf32, #tpu.memory_space<vmem>>[vector<16xi32>], vector<16xf32>,
      %add3A_117 = arith.addf %add3A_106, %gather3A_116 : vector<16xf32>
      %gather3A_118 = tpu.vector_load_idx %arg6[%add3A_115] : memref<25600xi32, #tpu.memory_space<vmem>>[vector<16xi32>], vector<16xi32>,
      %ne3A_119 = arith.constant 0 : i32
      %ne3A_120 = vector.broadcast %ne3A_119 : i32 to vector<16xi32>
      %ne3A_121 = arith.cmpi ne, %gather3A_118, %ne3A_120 : vector<16xi32>
      %select_n3A_122 = arith.select %ne3A_121, %broadcast_in_dim3A_25, %broadcast_in_dim3A_27 : vector<16xi1>, vector<16xf32>
      %add3A_123 = arith.addf %add3A_112, %select_n3A_122 : vector<16xf32>
      %add3A_124 = arith.constant 9 : i32
      %add3A_125 = vector.broadcast %add3A_124 : i32 to vector<16xi32>
      %add3A_126 = arith.addi %add3A_20, %add3A_125 : vector<16xi32>
      %gather3A_127 = tpu.vector_load_idx %arg7[%add3A_126] : memref<25600xf32, #tpu.memory_space<vmem>>[vector<16xi32>], vector<16xf32>,
      %add3A_128 = arith.addf %add3A_117, %gather3A_127 : vector<16xf32>
      %gather3A_129 = tpu.vector_load_idx %arg6[%add3A_126] : memref<25600xi32, #tpu.memory_space<vmem>>[vector<16xi32>], vector<16xi32>,
      %ne3A_130 = arith.constant 0 : i32
      %ne3A_131 = vector.broadcast %ne3A_130 : i32 to vector<16xi32>
      %ne3A_132 = arith.cmpi ne, %gather3A_129, %ne3A_131 : vector<16xi32>
      %select_n3A_133 = arith.select %ne3A_132, %broadcast_in_dim3A_25, %broadcast_in_dim3A_27 : vector<16xi1>, vector<16xf32>
      %add3A_134 = arith.addf %add3A_123, %select_n3A_133 : vector<16xf32>
      %add3A_135 = arith.constant 10 : i32
      %add3A_136 = vector.broadcast %add3A_135 : i32 to vector<16xi32>
      %add3A_137 = arith.addi %add3A_20, %add3A_136 : vector<16xi32>
      %gather3A_138 = tpu.vector_load_idx %arg7[%add3A_137] : memref<25600xf32, #tpu.memory_space<vmem>>[vector<16xi32>], vector<16xf32>,
      %add3A_139 = arith.addf %add3A_128, %gather3A_138 : vector<16xf32>
      %gather3A_140 = tpu.vector_load_idx %arg6[%add3A_137] : memref<25600xi32, #tpu.memory_space<vmem>>[vector<16xi32>], vector<16xi32>,
      %ne3A_141 = arith.constant 0 : i32
      %ne3A_142 = vector.broadcast %ne3A_141 : i32 to vector<16xi32>
      %ne3A_143 = arith.cmpi ne, %gather3A_140, %ne3A_142 : vector<16xi32>
      %select_n3A_144 = arith.select %ne3A_143, %broadcast_in_dim3A_25, %broadcast_in_dim3A_27 : vector<16xi1>, vector<16xf32>
      %add3A_145 = arith.addf %add3A_134, %select_n3A_144 : vector<16xf32>
      %add3A_146 = arith.constant 11 : i32
      %add3A_147 = vector.broadcast %add3A_146 : i32 to vector<16xi32>
      %add3A_148 = arith.addi %add3A_20, %add3A_147 : vector<16xi32>
      %gather3A_149 = tpu.vector_load_idx %arg7[%add3A_148] : memref<25600xf32, #tpu.memory_space<vmem>>[vector<16xi32>], vector<16xf32>,
      %add3A_150 = arith.addf %add3A_139, %gather3A_149 : vector<16xf32>
      %gather3A_151 = tpu.vector_load_idx %arg6[%add3A_148] : memref<25600xi32, #tpu.memory_space<vmem>>[vector<16xi32>], vector<16xi32>,
      %ne3A_152 = arith.constant 0 : i32
      %ne3A_153 = vector.broadcast %ne3A_152 : i32 to vector<16xi32>
      %ne3A_154 = arith.cmpi ne, %gather3A_151, %ne3A_153 : vector<16xi32>
      %select_n3A_155 = arith.select %ne3A_154, %broadcast_in_dim3A_25, %broadcast_in_dim3A_27 : vector<16xi1>, vector<16xf32>
      %add3A_156 = arith.addf %add3A_145, %select_n3A_155 : vector<16xf32>
      %add3A_157 = arith.constant 12 : i32
      %add3A_158 = vector.broadcast %add3A_157 : i32 to vector<16xi32>
      %add3A_159 = arith.addi %add3A_20, %add3A_158 : vector<16xi32>
      %gather3A_160 = tpu.vector_load_idx %arg7[%add3A_159] : memref<25600xf32, #tpu.memory_space<vmem>>[vector<16xi32>], vector<16xf32>,
      %add3A_161 = arith.addf %add3A_150, %gather3A_160 : vector<16xf32>
      %gather3A_162 = tpu.vector_load_idx %arg6[%add3A_159] : memref<25600xi32, #tpu.memory_space<vmem>>[vector<16xi32>], vector<16xi32>,
      %ne3A_163 = arith.constant 0 : i32
      %ne3A_164 = vector.broadcast %ne3A_163 : i32 to vector<16xi32>
      %ne3A_165 = arith.cmpi ne, %gather3A_162, %ne3A_164 : vector<16xi32>
      %select_n3A_166 = arith.select %ne3A_165, %broadcast_in_dim3A_25, %broadcast_in_dim3A_27 : vector<16xi1>, vector<16xf32>
      %add3A_167 = arith.addf %add3A_156, %select_n3A_166 : vector<16xf32>
      %add3A_168 = arith.constant 13 : i32
      %add3A_169 = vector.broadcast %add3A_168 : i32 to vector<16xi32>
      %add3A_170 = arith.addi %add3A_20, %add3A_169 : vector<16xi32>
      %gather3A_171 = tpu.vector_load_idx %arg7[%add3A_170] : memref<25600xf32, #tpu.memory_space<vmem>>[vector<16xi32>], vector<16xf32>,
      %add3A_172 = arith.addf %add3A_161, %gather3A_171 : vector<16xf32>
      %gather3A_173 = tpu.vector_load_idx %arg6[%add3A_170] : memref<25600xi32, #tpu.memory_space<vmem>>[vector<16xi32>], vector<16xi32>,
      %ne3A_174 = arith.constant 0 : i32
      %ne3A_175 = vector.broadcast %ne3A_174 : i32 to vector<16xi32>
      %ne3A_176 = arith.cmpi ne, %gather3A_173, %ne3A_175 : vector<16xi32>
      %select_n3A_177 = arith.select %ne3A_176, %broadcast_in_dim3A_25, %broadcast_in_dim3A_27 : vector<16xi1>, vector<16xf32>
      %add3A_178 = arith.addf %add3A_167, %select_n3A_177 : vector<16xf32>
      %add3A_179 = arith.constant 14 : i32
      %add3A_180 = vector.broadcast %add3A_179 : i32 to vector<16xi32>
      %add3A_181 = arith.addi %add3A_20, %add3A_180 : vector<16xi32>
      %gather3A_182 = tpu.vector_load_idx %arg7[%add3A_181] : memref<25600xf32, #tpu.memory_space<vmem>>[vector<16xi32>], vector<16xf32>,
      %add3A_183 = arith.addf %add3A_172, %gather3A_182 : vector<16xf32>
      %gather3A_184 = tpu.vector_load_idx %arg6[%add3A_181] : memref<25600xi32, #tpu.memory_space<vmem>>[vector<16xi32>], vector<16xi32>,
      %ne3A_185 = arith.constant 0 : i32
      %ne3A_186 = vector.broadcast %ne3A_185 : i32 to vector<16xi32>
      %ne3A_187 = arith.cmpi ne, %gather3A_184, %ne3A_186 : vector<16xi32>
      %select_n3A_188 = arith.select %ne3A_187, %broadcast_in_dim3A_25, %broadcast_in_dim3A_27 : vector<16xi1>, vector<16xf32>
      %add3A_189 = arith.addf %add3A_178, %select_n3A_188 : vector<16xf32>
      %add3A_190 = arith.constant 15 : i32
      %add3A_191 = vector.broadcast %add3A_190 : i32 to vector<16xi32>
      %add3A_192 = arith.addi %add3A_20, %add3A_191 : vector<16xi32>
      %gather3A_193 = tpu.vector_load_idx %arg7[%add3A_192] : memref<25600xf32, #tpu.memory_space<vmem>>[vector<16xi32>], vector<16xf32>,
      %add3A_194 = arith.addf %add3A_183, %gather3A_193 : vector<16xf32>
      %gather3A_195 = tpu.vector_load_idx %arg6[%add3A_192] : memref<25600xi32, #tpu.memory_space<vmem>>[vector<16xi32>], vector<16xi32>,
      %ne3A_196 = arith.constant 0 : i32
      %ne3A_197 = vector.broadcast %ne3A_196 : i32 to vector<16xi32>
      %ne3A_198 = arith.cmpi ne, %gather3A_195, %ne3A_197 : vector<16xi32>
      %select_n3A_199 = arith.select %ne3A_198, %broadcast_in_dim3A_25, %broadcast_in_dim3A_27 : vector<16xi1>, vector<16xf32>
      %add3A_200 = arith.addf %add3A_189, %select_n3A_199 : vector<16xf32>
      %add3A_201 = arith.constant 16 : i32
      %add3A_202 = vector.broadcast %add3A_201 : i32 to vector<16xi32>
      %add3A_203 = arith.addi %add3A_20, %add3A_202 : vector<16xi32>
      %gather3A_204 = tpu.vector_load_idx %arg7[%add3A_203] : memref<25600xf32, #tpu.memory_space<vmem>>[vector<16xi32>], vector<16xf32>,
      %add3A_205 = arith.addf %add3A_194, %gather3A_204 : vector<16xf32>
      %gather3A_206 = tpu.vector_load_idx %arg6[%add3A_203] : memref<25600xi32, #tpu.memory_space<vmem>>[vector<16xi32>], vector<16xi32>,
      %ne3A_207 = arith.constant 0 : i32
      %ne3A_208 = vector.broadcast %ne3A_207 : i32 to vector<16xi32>
      %ne3A_209 = arith.cmpi ne, %gather3A_206, %ne3A_208 : vector<16xi32>
      %select_n3A_210 = arith.select %ne3A_209, %broadcast_in_dim3A_25, %broadcast_in_dim3A_27 : vector<16xi1>, vector<16xf32>
      %add3A_211 = arith.addf %add3A_200, %select_n3A_210 : vector<16xf32>
      %add3A_212 = arith.constant 17 : i32
      %add3A_213 = vector.broadcast %add3A_212 : i32 to vector<16xi32>
      %add3A_214 = arith.addi %add3A_20, %add3A_213 : vector<16xi32>
      %gather3A_215 = tpu.vector_load_idx %arg7[%add3A_214] : memref<25600xf32, #tpu.memory_space<vmem>>[vector<16xi32>], vector<16xf32>,
      %add3A_216 = arith.addf %add3A_205, %gather3A_215 : vector<16xf32>
      %gather3A_217 = tpu.vector_load_idx %arg6[%add3A_214] : memref<25600xi32, #tpu.memory_space<vmem>>[vector<16xi32>], vector<16xi32>,
      %ne3A_218 = arith.constant 0 : i32
      %ne3A_219 = vector.broadcast %ne3A_218 : i32 to vector<16xi32>
      %ne3A_220 = arith.cmpi ne, %gather3A_217, %ne3A_219 : vector<16xi32>
      %select_n3A_221 = arith.select %ne3A_220, %broadcast_in_dim3A_25, %broadcast_in_dim3A_27 : vector<16xi1>, vector<16xf32>
      %add3A_222 = arith.addf %add3A_211, %select_n3A_221 : vector<16xf32>
      %add3A_223 = arith.constant 18 : i32
      %add3A_224 = vector.broadcast %add3A_223 : i32 to vector<16xi32>
      %add3A_225 = arith.addi %add3A_20, %add3A_224 : vector<16xi32>
      %gather3A_226 = tpu.vector_load_idx %arg7[%add3A_225] : memref<25600xf32, #tpu.memory_space<vmem>>[vector<16xi32>], vector<16xf32>,
      %add3A_227 = arith.addf %add3A_216, %gather3A_226 : vector<16xf32>
      %gather3A_228 = tpu.vector_load_idx %arg6[%add3A_225] : memref<25600xi32, #tpu.memory_space<vmem>>[vector<16xi32>], vector<16xi32>,
      %ne3A_229 = arith.constant 0 : i32
      %ne3A_230 = vector.broadcast %ne3A_229 : i32 to vector<16xi32>
      %ne3A_231 = arith.cmpi ne, %gather3A_228, %ne3A_230 : vector<16xi32>
      %select_n3A_232 = arith.select %ne3A_231, %broadcast_in_dim3A_25, %broadcast_in_dim3A_27 : vector<16xi1>, vector<16xf32>
      %add3A_233 = arith.addf %add3A_222, %select_n3A_232 : vector<16xf32>
      %add3A_234 = arith.constant 19 : i32
      %add3A_235 = vector.broadcast %add3A_234 : i32 to vector<16xi32>
      %add3A_236 = arith.addi %add3A_20, %add3A_235 : vector<16xi32>
      %gather3A_237 = tpu.vector_load_idx %arg7[%add3A_236] : memref<25600xf32, #tpu.memory_space<vmem>>[vector<16xi32>], vector<16xf32>,
      %add3A_238 = arith.addf %add3A_227, %gather3A_237 : vector<16xf32>
      %gather3A_239 = tpu.vector_load_idx %arg6[%add3A_236] : memref<25600xi32, #tpu.memory_space<vmem>>[vector<16xi32>], vector<16xi32>,
      %ne3A_240 = arith.constant 0 : i32
      %ne3A_241 = vector.broadcast %ne3A_240 : i32 to vector<16xi32>
      %ne3A_242 = arith.cmpi ne, %gather3A_239, %ne3A_241 : vector<16xi32>
      %select_n3A_243 = arith.select %ne3A_242, %broadcast_in_dim3A_25, %broadcast_in_dim3A_27 : vector<16xi1>, vector<16xf32>
      %add3A_244 = arith.addf %add3A_233, %select_n3A_243 : vector<16xf32>
      %add3A_245 = arith.constant 20 : i32
      %add3A_246 = vector.broadcast %add3A_245 : i32 to vector<16xi32>
      %add3A_247 = arith.addi %add3A_20, %add3A_246 : vector<16xi32>
      %gather3A_248 = tpu.vector_load_idx %arg7[%add3A_247] : memref<25600xf32, #tpu.memory_space<vmem>>[vector<16xi32>], vector<16xf32>,
      %add3A_249 = arith.addf %add3A_238, %gather3A_248 : vector<16xf32>
      %gather3A_250 = tpu.vector_load_idx %arg6[%add3A_247] : memref<25600xi32, #tpu.memory_space<vmem>>[vector<16xi32>], vector<16xi32>,
      %ne3A_251 = arith.constant 0 : i32
      %ne3A_252 = vector.broadcast %ne3A_251 : i32 to vector<16xi32>
      %ne3A_253 = arith.cmpi ne, %gather3A_250, %ne3A_252 : vector<16xi32>
      %select_n3A_254 = arith.select %ne3A_253, %broadcast_in_dim3A_25, %broadcast_in_dim3A_27 : vector<16xi1>, vector<16xf32>
      %add3A_255 = arith.addf %add3A_244, %select_n3A_254 : vector<16xf32>
      %add3A_256 = arith.constant 21 : i32
      %add3A_257 = vector.broadcast %add3A_256 : i32 to vector<16xi32>
      %add3A_258 = arith.addi %add3A_20, %add3A_257 : vector<16xi32>
      %gather3A_259 = tpu.vector_load_idx %arg7[%add3A_258] : memref<25600xf32, #tpu.memory_space<vmem>>[vector<16xi32>], vector<16xf32>,
      %add3A_260 = arith.addf %add3A_249, %gather3A_259 : vector<16xf32>
      %gather3A_261 = tpu.vector_load_idx %arg6[%add3A_258] : memref<25600xi32, #tpu.memory_space<vmem>>[vector<16xi32>], vector<16xi32>,
      %ne3A_262 = arith.constant 0 : i32
      %ne3A_263 = vector.broadcast %ne3A_262 : i32 to vector<16xi32>
      %ne3A_264 = arith.cmpi ne, %gather3A_261, %ne3A_263 : vector<16xi32>
      %select_n3A_265 = arith.select %ne3A_264, %broadcast_in_dim3A_25, %broadcast_in_dim3A_27 : vector<16xi1>, vector<16xf32>
      %add3A_266 = arith.addf %add3A_255, %select_n3A_265 : vector<16xf32>
      %add3A_267 = arith.constant 22 : i32
      %add3A_268 = vector.broadcast %add3A_267 : i32 to vector<16xi32>
      %add3A_269 = arith.addi %add3A_20, %add3A_268 : vector<16xi32>
      %gather3A_270 = tpu.vector_load_idx %arg7[%add3A_269] : memref<25600xf32, #tpu.memory_space<vmem>>[vector<16xi32>], vector<16xf32>,
      %add3A_271 = arith.addf %add3A_260, %gather3A_270 : vector<16xf32>
      %gather3A_272 = tpu.vector_load_idx %arg6[%add3A_269] : memref<25600xi32, #tpu.memory_space<vmem>>[vector<16xi32>], vector<16xi32>,
      %ne3A_273 = arith.constant 0 : i32
      %ne3A_274 = vector.broadcast %ne3A_273 : i32 to vector<16xi32>
      %ne3A_275 = arith.cmpi ne, %gather3A_272, %ne3A_274 : vector<16xi32>
      %select_n3A_276 = arith.select %ne3A_275, %broadcast_in_dim3A_25, %broadcast_in_dim3A_27 : vector<16xi1>, vector<16xf32>
      %add3A_277 = arith.addf %add3A_266, %select_n3A_276 : vector<16xf32>
      %add3A_278 = arith.constant 23 : i32
      %add3A_279 = vector.broadcast %add3A_278 : i32 to vector<16xi32>
      %add3A_280 = arith.addi %add3A_20, %add3A_279 : vector<16xi32>
      %gather3A_281 = tpu.vector_load_idx %arg7[%add3A_280] : memref<25600xf32, #tpu.memory_space<vmem>>[vector<16xi32>], vector<16xf32>,
      %add3A_282 = arith.addf %add3A_271, %gather3A_281 : vector<16xf32>
      %gather3A_283 = tpu.vector_load_idx %arg6[%add3A_280] : memref<25600xi32, #tpu.memory_space<vmem>>[vector<16xi32>], vector<16xi32>,
      %ne3A_284 = arith.constant 0 : i32
      %ne3A_285 = vector.broadcast %ne3A_284 : i32 to vector<16xi32>
      %ne3A_286 = arith.cmpi ne, %gather3A_283, %ne3A_285 : vector<16xi32>
      %select_n3A_287 = arith.select %ne3A_286, %broadcast_in_dim3A_25, %broadcast_in_dim3A_27 : vector<16xi1>, vector<16xf32>
      %add3A_288 = arith.addf %add3A_277, %select_n3A_287 : vector<16xf32>
      %add3A_289 = arith.constant 24 : i32
      %add3A_290 = vector.broadcast %add3A_289 : i32 to vector<16xi32>
      %add3A_291 = arith.addi %add3A_20, %add3A_290 : vector<16xi32>
      %gather3A_292 = tpu.vector_load_idx %arg7[%add3A_291] : memref<25600xf32, #tpu.memory_space<vmem>>[vector<16xi32>], vector<16xf32>,
      %add3A_293 = arith.addf %add3A_282, %gather3A_292 : vector<16xf32>
      %gather3A_294 = tpu.vector_load_idx %arg6[%add3A_291] : memref<25600xi32, #tpu.memory_space<vmem>>[vector<16xi32>], vector<16xi32>,
      %ne3A_295 = arith.constant 0 : i32
      %ne3A_296 = vector.broadcast %ne3A_295 : i32 to vector<16xi32>
      %ne3A_297 = arith.cmpi ne, %gather3A_294, %ne3A_296 : vector<16xi32>
      %select_n3A_298 = arith.select %ne3A_297, %broadcast_in_dim3A_25, %broadcast_in_dim3A_27 : vector<16xi1>, vector<16xf32>
      %add3A_299 = arith.addf %add3A_288, %select_n3A_298 : vector<16xf32>
      %add3A_300 = arith.constant 25 : i32
      %add3A_301 = vector.broadcast %add3A_300 : i32 to vector<16xi32>
      %add3A_302 = arith.addi %add3A_20, %add3A_301 : vector<16xi32>
      %gather3A_303 = tpu.vector_load_idx %arg7[%add3A_302] : memref<25600xf32, #tpu.memory_space<vmem>>[vector<16xi32>], vector<16xf32>,
      %add3A_304 = arith.addf %add3A_293, %gather3A_303 : vector<16xf32>
      %gather3A_305 = tpu.vector_load_idx %arg6[%add3A_302] : memref<25600xi32, #tpu.memory_space<vmem>>[vector<16xi32>], vector<16xi32>,
      %ne3A_306 = arith.constant 0 : i32
      %ne3A_307 = vector.broadcast %ne3A_306 : i32 to vector<16xi32>
      %ne3A_308 = arith.cmpi ne, %gather3A_305, %ne3A_307 : vector<16xi32>
      %select_n3A_309 = arith.select %ne3A_308, %broadcast_in_dim3A_25, %broadcast_in_dim3A_27 : vector<16xi1>, vector<16xf32>
      %add3A_310 = arith.addf %add3A_299, %select_n3A_309 : vector<16xf32>
      %add3A_311 = arith.constant 26 : i32
      %add3A_312 = vector.broadcast %add3A_311 : i32 to vector<16xi32>
      %add3A_313 = arith.addi %add3A_20, %add3A_312 : vector<16xi32>
      %gather3A_314 = tpu.vector_load_idx %arg7[%add3A_313] : memref<25600xf32, #tpu.memory_space<vmem>>[vector<16xi32>], vector<16xf32>,
      %add3A_315 = arith.addf %add3A_304, %gather3A_314 : vector<16xf32>
      %gather3A_316 = tpu.vector_load_idx %arg6[%add3A_313] : memref<25600xi32, #tpu.memory_space<vmem>>[vector<16xi32>], vector<16xi32>,
      %ne3A_317 = arith.constant 0 : i32
      %ne3A_318 = vector.broadcast %ne3A_317 : i32 to vector<16xi32>
      %ne3A_319 = arith.cmpi ne, %gather3A_316, %ne3A_318 : vector<16xi32>
      %select_n3A_320 = arith.select %ne3A_319, %broadcast_in_dim3A_25, %broadcast_in_dim3A_27 : vector<16xi1>, vector<16xf32>
      %add3A_321 = arith.addf %add3A_310, %select_n3A_320 : vector<16xf32>
      %add3A_322 = arith.constant 27 : i32
      %add3A_323 = vector.broadcast %add3A_322 : i32 to vector<16xi32>
      %add3A_324 = arith.addi %add3A_20, %add3A_323 : vector<16xi32>
      %gather3A_325 = tpu.vector_load_idx %arg7[%add3A_324] : memref<25600xf32, #tpu.memory_space<vmem>>[vector<16xi32>], vector<16xf32>,
      %add3A_326 = arith.addf %add3A_315, %gather3A_325 : vector<16xf32>
      %gather3A_327 = tpu.vector_load_idx %arg6[%add3A_324] : memref<25600xi32, #tpu.memory_space<vmem>>[vector<16xi32>], vector<16xi32>,
      %ne3A_328 = arith.constant 0 : i32
      %ne3A_329 = vector.broadcast %ne3A_328 : i32 to vector<16xi32>
      %ne3A_330 = arith.cmpi ne, %gather3A_327, %ne3A_329 : vector<16xi32>
      %select_n3A_331 = arith.select %ne3A_330, %broadcast_in_dim3A_25, %broadcast_in_dim3A_27 : vector<16xi1>, vector<16xf32>
      %add3A_332 = arith.addf %add3A_321, %select_n3A_331 : vector<16xf32>
      %add3A_333 = arith.constant 28 : i32
      %add3A_334 = vector.broadcast %add3A_333 : i32 to vector<16xi32>
      %add3A_335 = arith.addi %add3A_20, %add3A_334 : vector<16xi32>
      %gather3A_336 = tpu.vector_load_idx %arg7[%add3A_335] : memref<25600xf32, #tpu.memory_space<vmem>>[vector<16xi32>], vector<16xf32>,
      %add3A_337 = arith.addf %add3A_326, %gather3A_336 : vector<16xf32>
      %gather3A_338 = tpu.vector_load_idx %arg6[%add3A_335] : memref<25600xi32, #tpu.memory_space<vmem>>[vector<16xi32>], vector<16xi32>,
      %ne3A_339 = arith.constant 0 : i32
      %ne3A_340 = vector.broadcast %ne3A_339 : i32 to vector<16xi32>
      %ne3A_341 = arith.cmpi ne, %gather3A_338, %ne3A_340 : vector<16xi32>
      %select_n3A_342 = arith.select %ne3A_341, %broadcast_in_dim3A_25, %broadcast_in_dim3A_27 : vector<16xi1>, vector<16xf32>
      %add3A_343 = arith.addf %add3A_332, %select_n3A_342 : vector<16xf32>
      %add3A_344 = arith.constant 29 : i32
      %add3A_345 = vector.broadcast %add3A_344 : i32 to vector<16xi32>
      %add3A_346 = arith.addi %add3A_20, %add3A_345 : vector<16xi32>
      %gather3A_347 = tpu.vector_load_idx %arg7[%add3A_346] : memref<25600xf32, #tpu.memory_space<vmem>>[vector<16xi32>], vector<16xf32>,
      %add3A_348 = arith.addf %add3A_337, %gather3A_347 : vector<16xf32>
      %gather3A_349 = tpu.vector_load_idx %arg6[%add3A_346] : memref<25600xi32, #tpu.memory_space<vmem>>[vector<16xi32>], vector<16xi32>,
      %ne3A_350 = arith.constant 0 : i32
      %ne3A_351 = vector.broadcast %ne3A_350 : i32 to vector<16xi32>
      %ne3A_352 = arith.cmpi ne, %gather3A_349, %ne3A_351 : vector<16xi32>
      %select_n3A_353 = arith.select %ne3A_352, %broadcast_in_dim3A_25, %broadcast_in_dim3A_27 : vector<16xi1>, vector<16xf32>
      %add3A_354 = arith.addf %add3A_343, %select_n3A_353 : vector<16xf32>
      %add3A_355 = arith.constant 30 : i32
      %add3A_356 = vector.broadcast %add3A_355 : i32 to vector<16xi32>
      %add3A_357 = arith.addi %add3A_20, %add3A_356 : vector<16xi32>
      %gather3A_358 = tpu.vector_load_idx %arg7[%add3A_357] : memref<25600xf32, #tpu.memory_space<vmem>>[vector<16xi32>], vector<16xf32>,
      %add3A_359 = arith.addf %add3A_348, %gather3A_358 : vector<16xf32>
      %gather3A_360 = tpu.vector_load_idx %arg6[%add3A_357] : memref<25600xi32, #tpu.memory_space<vmem>>[vector<16xi32>], vector<16xi32>,
      %ne3A_361 = arith.constant 0 : i32
      %ne3A_362 = vector.broadcast %ne3A_361 : i32 to vector<16xi32>
      %ne3A_363 = arith.cmpi ne, %gather3A_360, %ne3A_362 : vector<16xi32>
      %select_n3A_364 = arith.select %ne3A_363, %broadcast_in_dim3A_25, %broadcast_in_dim3A_27 : vector<16xi1>, vector<16xf32>
      %add3A_365 = arith.addf %add3A_354, %select_n3A_364 : vector<16xf32>
      %add3A_366 = arith.constant 31 : i32
      %add3A_367 = vector.broadcast %add3A_366 : i32 to vector<16xi32>
      %add3A_368 = arith.addi %add3A_20, %add3A_367 : vector<16xi32>
      %gather3A_369 = tpu.vector_load_idx %arg7[%add3A_368] : memref<25600xf32, #tpu.memory_space<vmem>>[vector<16xi32>], vector<16xf32>,
      %add3A_370 = arith.addf %add3A_359, %gather3A_369 : vector<16xf32>
      %gather3A_371 = tpu.vector_load_idx %arg6[%add3A_368] : memref<25600xi32, #tpu.memory_space<vmem>>[vector<16xi32>], vector<16xi32>,
      %ne3A_372 = arith.constant 0 : i32
      %ne3A_373 = vector.broadcast %ne3A_372 : i32 to vector<16xi32>
      %ne3A_374 = arith.cmpi ne, %gather3A_371, %ne3A_373 : vector<16xi32>
      %select_n3A_375 = arith.select %ne3A_374, %broadcast_in_dim3A_25, %broadcast_in_dim3A_27 : vector<16xi1>, vector<16xf32>
      %add3A_376 = arith.addf %add3A_365, %select_n3A_375 : vector<16xf32>
      %add3A_377 = arith.constant 32 : i32
      %add3A_378 = vector.broadcast %add3A_377 : i32 to vector<16xi32>
      %add3A_379 = arith.addi %add3A_20, %add3A_378 : vector<16xi32>
      %gather3A_380 = tpu.vector_load_idx %arg7[%add3A_379] : memref<25600xf32, #tpu.memory_space<vmem>>[vector<16xi32>], vector<16xf32>,
      %add3A_381 = arith.addf %add3A_370, %gather3A_380 : vector<16xf32>
      %gather3A_382 = tpu.vector_load_idx %arg6[%add3A_379] : memref<25600xi32, #tpu.memory_space<vmem>>[vector<16xi32>], vector<16xi32>,
      %ne3A_383 = arith.constant 0 : i32
      %ne3A_384 = vector.broadcast %ne3A_383 : i32 to vector<16xi32>
      %ne3A_385 = arith.cmpi ne, %gather3A_382, %ne3A_384 : vector<16xi32>
      %select_n3A_386 = arith.select %ne3A_385, %broadcast_in_dim3A_25, %broadcast_in_dim3A_27 : vector<16xi1>, vector<16xf32>
      %add3A_387 = arith.addf %add3A_376, %select_n3A_386 : vector<16xf32>
      %add3A_388 = arith.constant 33 : i32
      %add3A_389 = vector.broadcast %add3A_388 : i32 to vector<16xi32>
      %add3A_390 = arith.addi %add3A_20, %add3A_389 : vector<16xi32>
      %gather3A_391 = tpu.vector_load_idx %arg7[%add3A_390] : memref<25600xf32, #tpu.memory_space<vmem>>[vector<16xi32>], vector<16xf32>,
      %add3A_392 = arith.addf %add3A_381, %gather3A_391 : vector<16xf32>
      %gather3A_393 = tpu.vector_load_idx %arg6[%add3A_390] : memref<25600xi32, #tpu.memory_space<vmem>>[vector<16xi32>], vector<16xi32>,
      %ne3A_394 = arith.constant 0 : i32
      %ne3A_395 = vector.broadcast %ne3A_394 : i32 to vector<16xi32>
      %ne3A_396 = arith.cmpi ne, %gather3A_393, %ne3A_395 : vector<16xi32>
      %select_n3A_397 = arith.select %ne3A_396, %broadcast_in_dim3A_25, %broadcast_in_dim3A_27 : vector<16xi1>, vector<16xf32>
      %add3A_398 = arith.addf %add3A_387, %select_n3A_397 : vector<16xf32>
      %add3A_399 = arith.constant 34 : i32
      %add3A_400 = vector.broadcast %add3A_399 : i32 to vector<16xi32>
      %add3A_401 = arith.addi %add3A_20, %add3A_400 : vector<16xi32>
      %gather3A_402 = tpu.vector_load_idx %arg7[%add3A_401] : memref<25600xf32, #tpu.memory_space<vmem>>[vector<16xi32>], vector<16xf32>,
      %add3A_403 = arith.addf %add3A_392, %gather3A_402 : vector<16xf32>
      %gather3A_404 = tpu.vector_load_idx %arg6[%add3A_401] : memref<25600xi32, #tpu.memory_space<vmem>>[vector<16xi32>], vector<16xi32>,
      %ne3A_405 = arith.constant 0 : i32
      %ne3A_406 = vector.broadcast %ne3A_405 : i32 to vector<16xi32>
      %ne3A_407 = arith.cmpi ne, %gather3A_404, %ne3A_406 : vector<16xi32>
      %select_n3A_408 = arith.select %ne3A_407, %broadcast_in_dim3A_25, %broadcast_in_dim3A_27 : vector<16xi1>, vector<16xf32>
      %add3A_409 = arith.addf %add3A_398, %select_n3A_408 : vector<16xf32>
      %add3A_410 = arith.constant 35 : i32
      %add3A_411 = vector.broadcast %add3A_410 : i32 to vector<16xi32>
      %add3A_412 = arith.addi %add3A_20, %add3A_411 : vector<16xi32>
      %gather3A_413 = tpu.vector_load_idx %arg7[%add3A_412] : memref<25600xf32, #tpu.memory_space<vmem>>[vector<16xi32>], vector<16xf32>,
      %add3A_414 = arith.addf %add3A_403, %gather3A_413 : vector<16xf32>
      %gather3A_415 = tpu.vector_load_idx %arg6[%add3A_412] : memref<25600xi32, #tpu.memory_space<vmem>>[vector<16xi32>], vector<16xi32>,
      %ne3A_416 = arith.constant 0 : i32
      %ne3A_417 = vector.broadcast %ne3A_416 : i32 to vector<16xi32>
      %ne3A_418 = arith.cmpi ne, %gather3A_415, %ne3A_417 : vector<16xi32>
      %select_n3A_419 = arith.select %ne3A_418, %broadcast_in_dim3A_25, %broadcast_in_dim3A_27 : vector<16xi1>, vector<16xf32>
      %add3A_420 = arith.addf %add3A_409, %select_n3A_419 : vector<16xf32>
      %add3A_421 = arith.constant 36 : i32
      %add3A_422 = vector.broadcast %add3A_421 : i32 to vector<16xi32>
      %add3A_423 = arith.addi %add3A_20, %add3A_422 : vector<16xi32>
      %gather3A_424 = tpu.vector_load_idx %arg7[%add3A_423] : memref<25600xf32, #tpu.memory_space<vmem>>[vector<16xi32>], vector<16xf32>,
      %add3A_425 = arith.addf %add3A_414, %gather3A_424 : vector<16xf32>
      %gather3A_426 = tpu.vector_load_idx %arg6[%add3A_423] : memref<25600xi32, #tpu.memory_space<vmem>>[vector<16xi32>], vector<16xi32>,
      %ne3A_427 = arith.constant 0 : i32
      %ne3A_428 = vector.broadcast %ne3A_427 : i32 to vector<16xi32>
      %ne3A_429 = arith.cmpi ne, %gather3A_426, %ne3A_428 : vector<16xi32>
      %select_n3A_430 = arith.select %ne3A_429, %broadcast_in_dim3A_25, %broadcast_in_dim3A_27 : vector<16xi1>, vector<16xf32>
      %add3A_431 = arith.addf %add3A_420, %select_n3A_430 : vector<16xf32>
      %add3A_432 = arith.constant 37 : i32
      %add3A_433 = vector.broadcast %add3A_432 : i32 to vector<16xi32>
      %add3A_434 = arith.addi %add3A_20, %add3A_433 : vector<16xi32>
      %gather3A_435 = tpu.vector_load_idx %arg7[%add3A_434] : memref<25600xf32, #tpu.memory_space<vmem>>[vector<16xi32>], vector<16xf32>,
      %add3A_436 = arith.addf %add3A_425, %gather3A_435 : vector<16xf32>
      %gather3A_437 = tpu.vector_load_idx %arg6[%add3A_434] : memref<25600xi32, #tpu.memory_space<vmem>>[vector<16xi32>], vector<16xi32>,
      %ne3A_438 = arith.constant 0 : i32
      %ne3A_439 = vector.broadcast %ne3A_438 : i32 to vector<16xi32>
      %ne3A_440 = arith.cmpi ne, %gather3A_437, %ne3A_439 : vector<16xi32>
      %select_n3A_441 = arith.select %ne3A_440, %broadcast_in_dim3A_25, %broadcast_in_dim3A_27 : vector<16xi1>, vector<16xf32>
      %add3A_442 = arith.addf %add3A_431, %select_n3A_441 : vector<16xf32>
      %add3A_443 = arith.constant 38 : i32
      %add3A_444 = vector.broadcast %add3A_443 : i32 to vector<16xi32>
      %add3A_445 = arith.addi %add3A_20, %add3A_444 : vector<16xi32>
      %gather3A_446 = tpu.vector_load_idx %arg7[%add3A_445] : memref<25600xf32, #tpu.memory_space<vmem>>[vector<16xi32>], vector<16xf32>,
      %add3A_447 = arith.addf %add3A_436, %gather3A_446 : vector<16xf32>
      %gather3A_448 = tpu.vector_load_idx %arg6[%add3A_445] : memref<25600xi32, #tpu.memory_space<vmem>>[vector<16xi32>], vector<16xi32>,
      %ne3A_449 = arith.constant 0 : i32
      %ne3A_450 = vector.broadcast %ne3A_449 : i32 to vector<16xi32>
      %ne3A_451 = arith.cmpi ne, %gather3A_448, %ne3A_450 : vector<16xi32>
      %select_n3A_452 = arith.select %ne3A_451, %broadcast_in_dim3A_25, %broadcast_in_dim3A_27 : vector<16xi1>, vector<16xf32>
      %add3A_453 = arith.addf %add3A_442, %select_n3A_452 : vector<16xf32>
      %add3A_454 = arith.constant 39 : i32
      %add3A_455 = vector.broadcast %add3A_454 : i32 to vector<16xi32>
      %add3A_456 = arith.addi %add3A_20, %add3A_455 : vector<16xi32>
      %gather3A_457 = tpu.vector_load_idx %arg7[%add3A_456] : memref<25600xf32, #tpu.memory_space<vmem>>[vector<16xi32>], vector<16xf32>,
      %add3A_458 = arith.addf %add3A_447, %gather3A_457 : vector<16xf32>
      %gather3A_459 = tpu.vector_load_idx %arg6[%add3A_456] : memref<25600xi32, #tpu.memory_space<vmem>>[vector<16xi32>], vector<16xi32>,
      %ne3A_460 = arith.constant 0 : i32
      %ne3A_461 = vector.broadcast %ne3A_460 : i32 to vector<16xi32>
      %ne3A_462 = arith.cmpi ne, %gather3A_459, %ne3A_461 : vector<16xi32>
      %select_n3A_463 = arith.select %ne3A_462, %broadcast_in_dim3A_25, %broadcast_in_dim3A_27 : vector<16xi1>, vector<16xf32>
      %add3A_464 = arith.addf %add3A_453, %select_n3A_463 : vector<16xf32>
      %add3A_465 = arith.constant 40 : i32
      %add3A_466 = vector.broadcast %add3A_465 : i32 to vector<16xi32>
      %add3A_467 = arith.addi %add3A_20, %add3A_466 : vector<16xi32>
      %gather3A_468 = tpu.vector_load_idx %arg7[%add3A_467] : memref<25600xf32, #tpu.memory_space<vmem>>[vector<16xi32>], vector<16xf32>,
      %add3A_469 = arith.addf %add3A_458, %gather3A_468 : vector<16xf32>
      %gather3A_470 = tpu.vector_load_idx %arg6[%add3A_467] : memref<25600xi32, #tpu.memory_space<vmem>>[vector<16xi32>], vector<16xi32>,
      %ne3A_471 = arith.constant 0 : i32
      %ne3A_472 = vector.broadcast %ne3A_471 : i32 to vector<16xi32>
      %ne3A_473 = arith.cmpi ne, %gather3A_470, %ne3A_472 : vector<16xi32>
      %select_n3A_474 = arith.select %ne3A_473, %broadcast_in_dim3A_25, %broadcast_in_dim3A_27 : vector<16xi1>, vector<16xf32>
      %add3A_475 = arith.addf %add3A_464, %select_n3A_474 : vector<16xf32>
      %add3A_476 = arith.constant 41 : i32
      %add3A_477 = vector.broadcast %add3A_476 : i32 to vector<16xi32>
      %add3A_478 = arith.addi %add3A_20, %add3A_477 : vector<16xi32>
      %gather3A_479 = tpu.vector_load_idx %arg7[%add3A_478] : memref<25600xf32, #tpu.memory_space<vmem>>[vector<16xi32>], vector<16xf32>,
      %add3A_480 = arith.addf %add3A_469, %gather3A_479 : vector<16xf32>
      %gather3A_481 = tpu.vector_load_idx %arg6[%add3A_478] : memref<25600xi32, #tpu.memory_space<vmem>>[vector<16xi32>], vector<16xi32>,
      %ne3A_482 = arith.constant 0 : i32
      %ne3A_483 = vector.broadcast %ne3A_482 : i32 to vector<16xi32>
      %ne3A_484 = arith.cmpi ne, %gather3A_481, %ne3A_483 : vector<16xi32>
      %select_n3A_485 = arith.select %ne3A_484, %broadcast_in_dim3A_25, %broadcast_in_dim3A_27 : vector<16xi1>, vector<16xf32>
      %add3A_486 = arith.addf %add3A_475, %select_n3A_485 : vector<16xf32>
      %add3A_487 = arith.constant 42 : i32
      %add3A_488 = vector.broadcast %add3A_487 : i32 to vector<16xi32>
      %add3A_489 = arith.addi %add3A_20, %add3A_488 : vector<16xi32>
      %gather3A_490 = tpu.vector_load_idx %arg7[%add3A_489] : memref<25600xf32, #tpu.memory_space<vmem>>[vector<16xi32>], vector<16xf32>,
      %add3A_491 = arith.addf %add3A_480, %gather3A_490 : vector<16xf32>
      %gather3A_492 = tpu.vector_load_idx %arg6[%add3A_489] : memref<25600xi32, #tpu.memory_space<vmem>>[vector<16xi32>], vector<16xi32>,
      %ne3A_493 = arith.constant 0 : i32
      %ne3A_494 = vector.broadcast %ne3A_493 : i32 to vector<16xi32>
      %ne3A_495 = arith.cmpi ne, %gather3A_492, %ne3A_494 : vector<16xi32>
      %select_n3A_496 = arith.select %ne3A_495, %broadcast_in_dim3A_25, %broadcast_in_dim3A_27 : vector<16xi1>, vector<16xf32>
      %add3A_497 = arith.addf %add3A_486, %select_n3A_496 : vector<16xf32>
      %add3A_498 = arith.constant 43 : i32
      %add3A_499 = vector.broadcast %add3A_498 : i32 to vector<16xi32>
      %add3A_500 = arith.addi %add3A_20, %add3A_499 : vector<16xi32>
      %gather3A_501 = tpu.vector_load_idx %arg7[%add3A_500] : memref<25600xf32, #tpu.memory_space<vmem>>[vector<16xi32>], vector<16xf32>,
      %add3A_502 = arith.addf %add3A_491, %gather3A_501 : vector<16xf32>
      %gather3A_503 = tpu.vector_load_idx %arg6[%add3A_500] : memref<25600xi32, #tpu.memory_space<vmem>>[vector<16xi32>], vector<16xi32>,
      %ne3A_504 = arith.constant 0 : i32
      %ne3A_505 = vector.broadcast %ne3A_504 : i32 to vector<16xi32>
      %ne3A_506 = arith.cmpi ne, %gather3A_503, %ne3A_505 : vector<16xi32>
      %select_n3A_507 = arith.select %ne3A_506, %broadcast_in_dim3A_25, %broadcast_in_dim3A_27 : vector<16xi1>, vector<16xf32>
      %add3A_508 = arith.addf %add3A_497, %select_n3A_507 : vector<16xf32>
      %add3A_509 = arith.constant 44 : i32
      %add3A_510 = vector.broadcast %add3A_509 : i32 to vector<16xi32>
      %add3A_511 = arith.addi %add3A_20, %add3A_510 : vector<16xi32>
      %gather3A_512 = tpu.vector_load_idx %arg7[%add3A_511] : memref<25600xf32, #tpu.memory_space<vmem>>[vector<16xi32>], vector<16xf32>,
      %add3A_513 = arith.addf %add3A_502, %gather3A_512 : vector<16xf32>
      %gather3A_514 = tpu.vector_load_idx %arg6[%add3A_511] : memref<25600xi32, #tpu.memory_space<vmem>>[vector<16xi32>], vector<16xi32>,
      %ne3A_515 = arith.constant 0 : i32
      %ne3A_516 = vector.broadcast %ne3A_515 : i32 to vector<16xi32>
      %ne3A_517 = arith.cmpi ne, %gather3A_514, %ne3A_516 : vector<16xi32>
      %select_n3A_518 = arith.select %ne3A_517, %broadcast_in_dim3A_25, %broadcast_in_dim3A_27 : vector<16xi1>, vector<16xf32>
      %add3A_519 = arith.addf %add3A_508, %select_n3A_518 : vector<16xf32>
      %add3A_520 = arith.constant 45 : i32
      %add3A_521 = vector.broadcast %add3A_520 : i32 to vector<16xi32>
      %add3A_522 = arith.addi %add3A_20, %add3A_521 : vector<16xi32>
      %gather3A_523 = tpu.vector_load_idx %arg7[%add3A_522] : memref<25600xf32, #tpu.memory_space<vmem>>[vector<16xi32>], vector<16xf32>,
      %add3A_524 = arith.addf %add3A_513, %gather3A_523 : vector<16xf32>
      %gather3A_525 = tpu.vector_load_idx %arg6[%add3A_522] : memref<25600xi32, #tpu.memory_space<vmem>>[vector<16xi32>], vector<16xi32>,
      %ne3A_526 = arith.constant 0 : i32
      %ne3A_527 = vector.broadcast %ne3A_526 : i32 to vector<16xi32>
      %ne3A_528 = arith.cmpi ne, %gather3A_525, %ne3A_527 : vector<16xi32>
      %select_n3A_529 = arith.select %ne3A_528, %broadcast_in_dim3A_25, %broadcast_in_dim3A_27 : vector<16xi1>, vector<16xf32>
      %add3A_530 = arith.addf %add3A_519, %select_n3A_529 : vector<16xf32>
      %add3A_531 = arith.constant 46 : i32
      %add3A_532 = vector.broadcast %add3A_531 : i32 to vector<16xi32>
      %add3A_533 = arith.addi %add3A_20, %add3A_532 : vector<16xi32>
      %gather3A_534 = tpu.vector_load_idx %arg7[%add3A_533] : memref<25600xf32, #tpu.memory_space<vmem>>[vector<16xi32>], vector<16xf32>,
      %add3A_535 = arith.addf %add3A_524, %gather3A_534 : vector<16xf32>
      %gather3A_536 = tpu.vector_load_idx %arg6[%add3A_533] : memref<25600xi32, #tpu.memory_space<vmem>>[vector<16xi32>], vector<16xi32>,
      %ne3A_537 = arith.constant 0 : i32
      %ne3A_538 = vector.broadcast %ne3A_537 : i32 to vector<16xi32>
      %ne3A_539 = arith.cmpi ne, %gather3A_536, %ne3A_538 : vector<16xi32>
      %select_n3A_540 = arith.select %ne3A_539, %broadcast_in_dim3A_25, %broadcast_in_dim3A_27 : vector<16xi1>, vector<16xf32>
      %add3A_541 = arith.addf %add3A_530, %select_n3A_540 : vector<16xf32>
      %add3A_542 = arith.constant 47 : i32
      %add3A_543 = vector.broadcast %add3A_542 : i32 to vector<16xi32>
      %add3A_544 = arith.addi %add3A_20, %add3A_543 : vector<16xi32>
      %gather3A_545 = tpu.vector_load_idx %arg7[%add3A_544] : memref<25600xf32, #tpu.memory_space<vmem>>[vector<16xi32>], vector<16xf32>,
      %add3A_546 = arith.addf %add3A_535, %gather3A_545 : vector<16xf32>
      %gather3A_547 = tpu.vector_load_idx %arg6[%add3A_544] : memref<25600xi32, #tpu.memory_space<vmem>>[vector<16xi32>], vector<16xi32>,
      %ne3A_548 = arith.constant 0 : i32
      %ne3A_549 = vector.broadcast %ne3A_548 : i32 to vector<16xi32>
      %ne3A_550 = arith.cmpi ne, %gather3A_547, %ne3A_549 : vector<16xi32>
      %select_n3A_551 = arith.select %ne3A_550, %broadcast_in_dim3A_25, %broadcast_in_dim3A_27 : vector<16xi1>, vector<16xf32>
      %add3A_552 = arith.addf %add3A_541, %select_n3A_551 : vector<16xf32>
      %add3A_553 = arith.constant 48 : i32
      %add3A_554 = vector.broadcast %add3A_553 : i32 to vector<16xi32>
      %add3A_555 = arith.addi %add3A_20, %add3A_554 : vector<16xi32>
      %gather3A_556 = tpu.vector_load_idx %arg7[%add3A_555] : memref<25600xf32, #tpu.memory_space<vmem>>[vector<16xi32>], vector<16xf32>,
      %add3A_557 = arith.addf %add3A_546, %gather3A_556 : vector<16xf32>
      %gather3A_558 = tpu.vector_load_idx %arg6[%add3A_555] : memref<25600xi32, #tpu.memory_space<vmem>>[vector<16xi32>], vector<16xi32>,
      %ne3A_559 = arith.constant 0 : i32
      %ne3A_560 = vector.broadcast %ne3A_559 : i32 to vector<16xi32>
      %ne3A_561 = arith.cmpi ne, %gather3A_558, %ne3A_560 : vector<16xi32>
      %select_n3A_562 = arith.select %ne3A_561, %broadcast_in_dim3A_25, %broadcast_in_dim3A_27 : vector<16xi1>, vector<16xf32>
      %add3A_563 = arith.addf %add3A_552, %select_n3A_562 : vector<16xf32>
      %add3A_564 = arith.constant 49 : i32
      %add3A_565 = vector.broadcast %add3A_564 : i32 to vector<16xi32>
      %add3A_566 = arith.addi %add3A_20, %add3A_565 : vector<16xi32>
      %gather3A_567 = tpu.vector_load_idx %arg7[%add3A_566] : memref<25600xf32, #tpu.memory_space<vmem>>[vector<16xi32>], vector<16xf32>,
      %add3A_568 = arith.addf %add3A_557, %gather3A_567 : vector<16xf32>
      %gather3A_569 = tpu.vector_load_idx %arg6[%add3A_566] : memref<25600xi32, #tpu.memory_space<vmem>>[vector<16xi32>], vector<16xi32>,
      %ne3A_570 = arith.constant 0 : i32
      %ne3A_571 = vector.broadcast %ne3A_570 : i32 to vector<16xi32>
      %ne3A_572 = arith.cmpi ne, %gather3A_569, %ne3A_571 : vector<16xi32>
      %select_n3A_573 = arith.select %ne3A_572, %broadcast_in_dim3A_25, %broadcast_in_dim3A_27 : vector<16xi1>, vector<16xf32>
      %add3A_574 = arith.addf %add3A_563, %select_n3A_573 : vector<16xf32>
      %max3A = arith.maximumf %add3A_574, %broadcast_in_dim3A_25 : vector<16xf32>
      %div3A = arith.divf %add3A_568, %max3A : vector<16xf32>
      %add3A_575 = arith.addf %div3A, %get3A_7 : vector<16xf32>
      %mul3A_576 = arith.constant 16 : i32
      %mul3A_577 = arith.muli %scan3A_16, %mul3A_576 : i32
      %swap3A = arith.index_cast %mul3A_577 : i32 to index
      %swap3A_578 = tpu.vector_load %arg8[%swap3A] {strides = array<i32>} : memref<512xf32, #tpu.memory_space<vmem>>, vector<16xf32>,
      tpu.vector_store %arg8[%swap3A], %add3A_575 {strides = array<i32>} : memref<512xf32, #tpu.memory_space<vmem>>, vector<16xf32>,
    }
    %scan3A_15 = arith.constant 32 : i32
    "tpu.region"() ({
      %run_scoped3A = tpu.sem_alloc : memref<!tpu.dma_semaphore, #tpu.memory_space<semaphore_mem>>
      %dma_start3A_16 = tpu.memref_slice %arg5[%mul3A_2] : memref<16384xf32, #tpu.memory_space<hbm>> -> memref<512xf32, #tpu.memory_space<hbm>>
      %dma_start3A_17 = tpu.memref_slice %arg5[%mul3A_2] : memref<16384xf32, #tpu.memory_space<hbm>> -> memref<512xf32, #tpu.memory_space<hbm>>
      tpu.enqueue_dma source(%arg8 : memref<512xf32, #tpu.memory_space<vmem>>) target(%dma_start3A_17 : memref<512xf32, #tpu.memory_space<hbm>>) target_semaphore(%run_scoped3A : memref<!tpu.dma_semaphore, #tpu.memory_space<semaphore_mem>>)
      %dma_wait3A_18 = tpu.memref_slice %arg5[%mul3A_2] : memref<16384xf32, #tpu.memory_space<hbm>> -> memref<512xf32, #tpu.memory_space<hbm>>
      %dma_wait3A_19 = tpu.memref_slice %arg5[%mul3A_2] : memref<16384xf32, #tpu.memory_space<hbm>> -> memref<512xf32, #tpu.memory_space<hbm>>
      tpu.wait_dma2 semaphore(%run_scoped3A : memref<!tpu.dma_semaphore, #tpu.memory_space<semaphore_mem>>) src(%arg8 : memref<512xf32, #tpu.memory_space<vmem>>) dst(%dma_wait3A_19 : memref<512xf32, #tpu.memory_space<hbm>>)
      tpu.yield
    }) : () -> ()
    return
  }
}

module attributes {stable_mosaic.version = 14 : i64} {
  func.func @_fold_body(%arg0: i32, %arg1: memref<64x32768xf32, #tpu.memory_space<vmem>>, %arg2: memref<64x1xf32, #tpu.memory_space<vmem>>, %arg3: memref<32768xf32, #tpu.memory_space<vmem>>) attributes {dimension_semantics = [#tpu.dimension_semantics<arbitrary>], iteration_bounds = array<i64: 31>, scalar_prefetch = 0 : i64, scratch_operands = 0 : i64, tpu.core_type = #tpu.core_type<tc>, window_params = [{transform_indices = @transform_0, window_bounds = array<i64: 64, 32768>}, {pipeline_mode = #tpu.pipeline_mode<synchronous>, transform_indices = @transform_1, window_bounds = array<i64: 64, 1>}, {transform_indices = @transform_2, window_bounds = array<i64: 32768>}]} {
    %get3A = arith.constant 0 : index
    %get3A_0 = arith.constant 0 : index
    %get3A_1 = vector.load %arg1[%get3A, %get3A_0] : memref<64x32768xf32, #tpu.memory_space<vmem>>, vector<64x32768xf32>
    %get3A_2 = arith.constant 0 : index
    %get3A_3 = arith.constant 0 : index
    %get3A_4 = vector.load %arg2[%get3A_2, %get3A_3] : memref<64x1xf32, #tpu.memory_space<vmem>>, vector<64x1xf32>
    %mul3A = vector.broadcast %get3A_4 : vector<64x1xf32> to vector<64x32768xf32>
    %mul3A_5 = arith.mulf %get3A_1, %mul3A : vector<64x32768xf32>
    %reduce_sum3A = arith.constant dense<0.000000e+00> : vector<32768xf32>
    %reduce_sum3A_6 = vector.multi_reduction <add>, %mul3A_5, %reduce_sum3A [0] : vector<64x32768xf32> to vector<32768xf32>
    %swap3A = arith.constant 0 : index
    %swap3A_7 = vector.load %arg3[%swap3A] : memref<32768xf32, #tpu.memory_space<vmem>>, vector<32768xf32>
    tpu.vector_store %arg3[%swap3A], %reduce_sum3A_6 {strides = array<i32>} : memref<32768xf32, #tpu.memory_space<vmem>>, vector<32768xf32>,
    return
  }
  func.func @transform_0(%arg0: i32) -> (i32, i32) {
    %c0_i32 = arith.constant 0 : i32
    %c0_i32_0 = arith.constant 0 : i32
    return %c0_i32, %arg0 : i32, i32
  }
  func.func @transform_1(%arg0: i32) -> (i32, i32) {
    %c0_i32 = arith.constant 0 : i32
    %c0_i32_0 = arith.constant 0 : i32
    %c0_i32_1 = arith.constant 0 : i32
    return %c0_i32, %c0_i32_0 : i32, i32
  }
  func.func @transform_2(%arg0: i32) -> i32 {
    %c0_i32 = arith.constant 0 : i32
    return %arg0 : i32
  }
}

</mosaic_0001>

<sc_bundles>
// kernel: kernel.4.cloned.1.call-start
scs
__scs_entry_jumppad:
0x0: {  	(pc) =	sbr.rel $0x88, $3  }
0x1: {  	(tag) =	ssettag $0x0;
	lr =	simm.s32 $0x1  }
0x2: {  	[smem:$0x3F9D] =	sst lr;
	_ =	strace $0xD0000000  }
0x3: {  	_ = 	snop  }
0x4: {  	_ = 	snop  }
0x5: {  	_ = 	snop  }
0x6: {  	_ = 	snop  }
0x7: {  	_ = 	snop  }
__scs_overlays_trampoline_lowered:
0x8: {  	[smem:$0x3FAC] =	sst s0  }
0x9: {  	[smem:$0x3FAD] =	sst s1  }
0xa: {  	[smem:$0x3FAE] =	sst s2  }
0xb: {  	[smem:$0x3FAF] =	sst s3  }
0xc: {  	[smem:$0x3FB0] =	sst s4  }
0xd: {  	[smem:$0x3FB1] =	sst s5  }
0xe: {  	[smem:$0x3FB2] =	sst s6  }
0xf: {  	[smem:$0x3FB3] =	sst s7  }
0x10: {  	[smem:$0x3FB4] =	sst s8  }
0x11: {  	[smem:$0x3FB5] =	sst s9;
	s0 =	simm.s32 @!p0 $0x0  }
0x12: {  	s1 =	sld [smem:$0x3F9B];
	s0 =	simm.s32 @p0 $0x1  }
0x13: {  	[smem:$0x3FB6] =	sst s0;
	s0 =	simm.s32 @!p1 $0x0  }
0x14: {  	s2 =	sld [smem:$0x3F9A];
	s0 =	simm.s32 @p1 $0x1  }
0x15: {  	[smem:$0x3FB7] =	sst s0;
	s0 =	simm.s32 @!p2 $0x0  }
0x16: {  	s3 =	sld [smem:$0x3FDB];
	s0 =	simm.s32 @p2 $0x1  }
0x17: {  	s4 =	simm.s32 $0x1BF5;
	[smem:$0x3FB9] =	sst s0  }
0x18: {  	s0 =	sld [smem:$0x3F9C];
	_ =	swait.ge [sflag:s4], $0x0  }
0x19: {  	s7 =	sld [smem:$0x3F9D]  }
0x1a: {  	s8 =	sadd.s32 $0xFFFFE003, lr  }
0x1b: {  	s9 =	sadd.s32 $0xFFFFFEF7, lr;
	s5 =	simm.s32 $0xFFFFFFFF;
	p2 =	slt.u32 s8, $0xFFFFF086  }
0x1c: {  	p1 =	slt.u32 s9, $0xF7A;
	s5 =	simm.s32 @!p2 $0x0  }
0x1d: {  	s5 =	simm.s32 @p1 $0x1;
	p0 =	seq.s32 s7, s2  }
0x1e: {  	s7 =	smul.u32 @!p0 $0xF7A, s2;
	p2 =	seq.s32 @!p0 s5, $0x0  }
0x1f: {  	s9 =	smul.u32 $0xF7A, s1;
	s8 =	simm.s32 @!p0 $0x1BF5;
	p2 =	por !p2, p0  }
0x20: {  	[sflag:s8] =	ssyncset.s32 @!p0 $0xFFFFF086;
	s6 =	sadd.s32 @!p0 s3, s7;
	s7 =	simm.s32 @!p0 $0x108  }
0x21: {  	s3 =	sadd.s32 s3, s9;
	s6 =	sadd.s32 @!p0 $0x88, s6;
	s7 =	simm.s32 @p2 $0x1082  }
0x22: {  	[simem:s7], [sflag:s8] =	dma.local @!p0 [hbm:s6], $0xF7A  }
0x23: {  	s9 =	sor.u32 $0xD0000000, s2;
	s6 =	simm.s32 $0x108;
	_ =	swait.ge @!p0 [sflag:s8], $0x0  }
0x24: {  	s3 =	sadd.s32 $0x88, s3;
	s6 =	simm.s32 @!p1 $0x1082;
	[sflag:s4] =	ssyncset.s32 $0xFFFFF086  }
0x25: {  	[simem:s6], [sflag:s4] =	dma.local [hbm:s3], $0xF7A  }
0x26: {  	[smem:$0x3F9D] =	sst s1;
	(tag) =	ssettag s2;
	_ =	strace s9  }
0x27: {  	s1 =	sld [smem:$0x3FAD]  }
0x28: {  	s2 =	sld [smem:$0x3FAE]  }
0x29: {  	s4 =	sld [smem:$0x3FB0]  }
0x2a: {  	p0 =	seq.s32 s5, $0x0;
	s5 =	sld [smem:$0x3FB1]  }
0x2b: {  	s6 =	sld [smem:$0x3FB2]  }
0x2c: {  	s7 =	sld [smem:$0x3FB3]  }
0x2d: {  	s3 =	simm.s32 $0x108;
	s8 =	sld [smem:$0x3FB4]  }
0x2e: {  	s3 =	simm.s32 @!p0 $0x1082;
	s9 =	sld [smem:$0x3FB5]  }
0x2f: {  	lr =	sadd.s32 s0, s3;
	s0 =	sld [smem:$0x3FAC]  }
0x30: {  	s3 =	sld [smem:$0x3FAF]  }
0x31: {  	[smem:$0x3FB8] =	sst s10  }
0x32: {  	s10 =	sld [smem:$0x3FB6];
	_ =	sdelay $0x3  }
0x33: {  	p0 =	seq.s32 s10, $0x1;
	s10 =	sld [smem:$0x3FB8];
	_ =	sdelay $0x3  }
0x34: {  	[smem:$0x3FB8] =	sst s10  }
0x35: {  	s10 =	sld [smem:$0x3FB7];
	_ =	sdelay $0x3  }
0x36: {  	p1 =	seq.s32 s10, $0x1;
	s10 =	sld [smem:$0x3FB8];
	_ =	sdelay $0x3  }
0x37: {  	[smem:$0x3FB8] =	sst s10  }
0x38: {  	s10 =	sld [smem:$0x3FB9]  }
0x39: {  	_ = 	snop;
	(pc) =	sbr.ind lr, $3  }
0x3a: {  	_ = 	snop  }
0x3b: {  	_ = 	snop  }
0x3c: {  	p2 =	seq.s32 s10, $0x1;
	s10 =	sld [smem:$0x3FB8]  }
0x3d: {  	_ =	shalt  }
0x3e: {  	_ =	shalt  }
0x3f: {  	_ =	shalt  }
0x40: {  	_ =	shalt  }
0x41: {  	_ =	shalt  }
0x42: {  	_ =	shalt  }
0x43: {  	_ =	shalt  }
0x44: {  	_ =	shalt  }
0x45: {  	_ =	shalt  }
0x46: {  	_ =	shalt  }
0x47: {  	_ =	shalt  }
0x48: {  	_ =	shalt  }
0x49: {  	_ =	shalt  }
0x4a: {  	_ =	shalt  }
0x4b: {  	_ =	shalt  }
0x4c: {  	_ =	shalt  }
0x4d: {  	_ =	shalt  }
0x4e: {  	_ =	shalt  }
0x4f: {  	_ =	shalt  }
0x50: {  	_ =	shalt  }
0x51: {  	_ =	shalt  }
0x52: {  	_ =	shalt  }
0x53: {  	_ =	shalt  }
0x54: {  	_ =	shalt  }
0x55: {  	_ =	shalt  }
0x56: {  	_ =	shalt  }
0x57: {  	_ =	shalt  }
0x58: {  	_ =	shalt  }
0x59: {  	_ =	shalt  }
0x5a: {  	_ =	shalt  }
0x5b: {  	_ =	shalt  }
0x5c: {  	_ =	shalt  }
0x5d: {  	_ =	shalt  }
0x5e: {  	_ =	shalt  }
0x5f: {  	_ =	shalt  }
0x60: {  	_ =	shalt  }
0x61: {  	_ =	shalt  }
0x62: {  	_ =	shalt  }
0x63: {  	_ =	shalt  }
0x64: {  	_ =	shalt  }
0x65: {  	_ =	shalt  }
0x66: {  	_ =	shalt  }
0x67: {  	_ =	shalt  }
0x68: {  	_ =	shalt  }
0x69: {  	_ =	shalt  }
0x6a: {  	_ =	shalt  }
0x6b: {  	_ =	shalt  }
0x6c: {  	_ =	shalt  }
0x6d: {  	_ =	shalt  }
0x6e: {  	_ =	shalt  }
0x6f: {  	_ =	shalt  }
0x70: {  	_ =	shalt  }
0x71: {  	_ =	shalt  }
0x72: {  	_ =	shalt  }
0x73: {  	_ =	shalt  }
0x74: {  	_ =	shalt  }
0x75: {  	_ =	shalt  }
0x76: {  	_ =	shalt  }
0x77: {  	_ =	shalt  }
0x78: {  	_ =	shalt  }
0x79: {  	_ =	shalt  }
0x7a: {  	_ =	shalt  }
0x7b: {  	_ =	shalt  }
0x7c: {  	_ =	shalt  }
0x7d: {  	_ =	shalt  }
0x7e: {  	_ =	shalt  }
0x7f: {  	_ =	shalt  }
0x80: {  	_ =	shalt  }
0x81: {  	_ =	shalt  }
0x82: {  	_ =	shalt  }
0x83: {  	_ =	shalt  }
0x84: {  	_ =	shalt  }
0x85: {  	_ =	shalt  }
0x86: {  	_ =	shalt  }
0x87: {  	_ =	shalt  }
.Lfunc_end0:
.L_simem_size_0:
called_computation_lowered:
.L_overlay_start_0:
0x88: {  	s2 =	sld [smem:$0x3FD9]  }
0x89: {  	s3 =	sld [smem:$0x3FFE];
	_ =	sdelay $0x1  }
0x8a: {  	s1 =	srdreg.scid  }
0x8b: {  	s0 =	sand.u32 $0x1, s1  }
0x8c: {  	s17 =	sshll.u32 s0, $0xA;
	s2 =	sadd.s32 s3, s2  }
0x8d: {  	s2 =	sadd.s32 s2, s17  }
0x8e: {  	[smem:$0x3FC4] =	sst s2  }
0x8f: {  	_ = 	snop  }
0x90: {  	s2 =	sld [smem:$0x3FD0];
	(tm) =	ssettm $0x1  }
0x91: {  	s18 =	sld [smem:$0x3FFB];
	_ =	sdelay $0x3  }
0x92: {  	_ =	strace s18  }
0x93: {  	s3 =	sld [smem:$0x3FFC];
	_ =	sdelay $0x3  }
0x94: {  	_ =	strace s3  }
0x95: {  	s3 =	sld [smem:$0x3FFD];
	_ =	sdelay $0x3  }
0x96: {  	_ =	strace s3  }
0x97: {  	_ =	strace $0x8FFFFFFF  }
0x98: {  	s19 =	sld [smem:$0x3FDB];
	_ =	sdelay $0x1  }
0x99: {  	s4 =	simm.s32 $_scs_section_size  }
0x9a: {  	s5 =	simm.s32 $_size__tile_overlayer_lowered;
	s6 =	simm.s32 $_tile_overlayer_lowered  }
0x9b: {  	s22 =	simm.s32 $0x1BFF;
	s21 =	sshll.u32 s6, $0x1;
	s3 =	sadd.s32 s4, s19  }
0x9c: {  	s7 =	simm.s32 $0x0;
	s20 =	sshll.u32 s5, $0x1;
	s5 =	sadd.s32 s21, s3  }
0x9d: {  	[timem:s7], [sflag:s22] =	dma.local [hbm:s5], s20  }
0x9e: {  	_ =	swait.ge [sflag:s22], s20  }
0x9f: {  	s4 =	ssub.s32 $0x0, s20;
	[sflag:s22] =	ssyncset.done $0x0  }
0xa0: {  	[sflag:s22] =	ssyncadd.s32 s4;
	_ =	sdelay $0x1  }
0xa1: {  	s23 =	simm.s32 $0x1B8B  }
0xa2: {  	_ =	swait.ge [sflag:s23], $0x1  }
0xa3: {  	[sflag:s23] =	ssyncset.done $0x0  }
0xa4: {  	s25 =	simm.s32 $0x1B8E;
	s24 =	sld [smem:$0x3FFE];
	[sflag:s23] =	ssyncadd.s32 $0xFFFFFFFF  }
0xa5: {  	s26 =	simm.s32 $execute0_lowered;
	[smem:$0x3FD2] =	sst s25  }
0xa6: {  	s5 =	sshll.u32 s26, $0x1;
	_ =	strace $0x80000046;
	[dreg:$0x1] =	wrdreg $0xFFFFFFFF  }
0xa7: {  	s28 =	simm.s32 $_size_execute0_lowered;
	s3 =	sadd.s32 s3, s5;
	[dreg:$0x0] =	wrdreg $0x0  }
0xa8: {  	s5 =	sshll.u32 s28, $0x1;
	[dreg:$0x2] =	wrdreg s3  }
0xa9: {  	[dreg:$0x3] =	wrdreg s5  }
0xaa: {  	[dreg:$0x4] =	wrdreg $0xC0  }
0xab: {  	_ =	task [dreg:s7], $0x5FFFF  }
0xac: {  	[dreg:$0x1] =	wrdreg $0xFFFFFFFF  }
0xad: {  	[dreg:$0x0] =	wrdreg $0x60  }
0xae: {  	[dreg:$0x2] =	wrdreg s24  }
0xaf: {  	[dreg:$0x3] =	wrdreg s2  }
0xb0: {  	[dreg:$0x4] =	wrdreg $0x9  }
0xb1: {  	_ =	task.clear_ibuf [dreg:s7], $0x5FFFF;
	_ =	strace $0x90000046  }
0xb2: {  	s29 =	simm.s32 $0x9;
	_ =	strace $0x80000048  }
0xb3: {  	_ =	swait.ge [sflag:s29], $0x1  }
0xb4: {  	[sflag:s29] =	ssyncadd.s32 $0xFFFFFFFF  }
0xb5: {  	_ =	strace $0x90000048  }
0xb6: {  	_ =	sfence  }
0xb7: {  	s30 =	sld [smem:$0x0];
	_ =	sdelay $0x2  }
0xb8: {  	s31 =	sshll.u32 s1, $0xD;
	s1 =	sshrl.u32 s1, $0x2  }
0xb9: {  	s3 =	sand.u32 $0x4000, s31;
	s1 =	sadd.s32 s1, s30  }
0xba: {  	s0 =	sor.u32 s3, s0;
	s1 =	sshll.u32 s1, $0x11  }
0xbb: {  	s0 =	sor.u32 s1, s0  }
0xbc: {  	s0 =	sadd.s32 $0x8F2B, s0  }
0xbd: {  	[sflag:s0] =	ssyncadd.remote.s32 $0x1  }
0xbe: {  	_ =	sfence.sel $0xFFFF  }
0xbf: {  	[dreg:$0x0] =	wrdreg $0xFFFFFFFF;
	(pc) =	sbr.abs _section_cstart, $3  }
0xc0: {  	[dreg:$0x1] =	wrdreg $0xFFFFFFFF  }
0xc1: {  	_ =	task.clear_ibuf [dreg:s7], $0x2FFFF;
	_ =	strace $0x9FFFFFFF  }
0xc2: {  	(tm) =	ssettm $0x7FFFFFFF  }
0xc3: {  	_ =	shalt  }
tec
execute0_lowered:
.L_overlay_start_1:
0x0: {  	(tag) =	ssettag $0x1  }
0x1: {  	v0 =	vlaneseq.u32  }
0x2: {  	v1 =	vand.u32 $0x3, v0  }
0x3: {  	v46 =	vmul.u32 $0x32, v0;
	v0 =	vmul.u32 $0x2, v1;
	_ =	sdelay $0x1  }
0x4: {  	[tilespmem:$0x1FC80] =	vst v0;
	v0 =	vor.u32 $0x1, v0  }
0x5: {  	[tilespmem:$0x1FC90] =	vst v0;
	v0 =	vadd.s32 $0x2, v46  }
0x6: {  	[tilespmem:$0x1FCA0] =	vst v0;
	v0 =	vimm.s32 $0x60402  }
0x7: {  	v0 =	vunpack.c.0.s8.s32 v0;
	_ =	sdelay $0x1  }
0x8: {  	v3 =	vimm.s32 $0x1070503;
	[tilespmem:$0x1FCB0] =	vst v0;
	v0 =	vadd.s32 $0x3, v46  }
0x9: {  	[tilespmem:$0x1FCC0] =	vst v0;
	v0 =	vunpack.c.0.s8.s32 v3;
	_ =	sdelay $0x1  }
0xa: {  	[tilespmem:$0x1FCD0] =	vst v0;
	v0 =	vadd.s32 $0x4, v46  }
0xb: {  	[tilespmem:$0x1FCE0] =	vst v0;
	v0 =	vimm.s32 $0x2000604  }
0xc: {  	v0 =	vunpack.c.0.s8.s32 v0;
	_ =	sdelay $0x1  }
0xd: {  	v3 =	vimm.s32 $0x3010705;
	[tilespmem:$0x1FCF0] =	vst v0;
	v0 =	vadd.s32 $0x5, v46  }
0xe: {  	[tilespmem:$0x1FD00] =	vst v0;
	v0 =	vunpack.c.0.s8.s32 v3;
	_ =	sdelay $0x1  }
0xf: {  	[tilespmem:$0x1FD10] =	vst v0;
	v0 =	vadd.s32 $0x6, v46  }
0x10: {  	[tilespmem:$0x1FD20] =	vst v0;
	v0 =	vimm.s32 $0x4020006  }
0x11: {  	v0 =	vunpack.c.0.s8.s32 v0;
	_ =	sdelay $0x1  }
0x12: {  	v3 =	vimm.s32 $0x5030107;
	[tilespmem:$0x1FD30] =	vst v0;
	v0 =	vadd.s32 $0x7, v46  }
0x13: {  	[tilespmem:$0x1FD40] =	vst v0;
	v0 =	vunpack.c.0.s8.s32 v3;
	_ =	sdelay $0x1  }
0x14: {  	[tilespmem:$0x1FD50] =	vst v0;
	v0 =	vadd.s32 $0x8, v46  }
0x15: {  	[tilespmem:$0x1FD60] =	vst v0;
	v0 =	vadd.s32 $0x9, v46  }
0x16: {  	[tilespmem:$0x1FD70] =	vst v0;
	v0 =	vadd.s32 $0xA, v46  }
0x17: {  	[tilespmem:$0x1FD80] =	vst v0;
	v0 =	vadd.s32 $0xB, v46  }
0x18: {  	[tilespmem:$0x1FD90] =	vst v0;
	v0 =	vadd.s32 $0xC, v46  }
0x19: {  	[tilespmem:$0x1FDA0] =	vst v0;
	v0 =	vadd.s32 $0xD, v46  }
0x1a: {  	[tilespmem:$0x1FDB0] =	vst v0;
	v0 =	vadd.s32 $0xE, v46  }
0x1b: {  	[tilespmem:$0x1FDC0] =	vst v0;
	v0 =	vadd.s32 $0xF, v46  }
0x1c: {  	[tilespmem:$0x1FDD0] =	vst v0;
	v0 =	vadd.s32 $0x10, v46  }
0x1d: {  	[tilespmem:$0x1FDE0] =	vst v0;
	v0 =	vadd.s32 $0x11, v46  }
0x1e: {  	[tilespmem:$0x1FDF0] =	vst v0;
	v0 =	vadd.s32 $0x12, v46  }
0x1f: {  	[tilespmem:$0x1FE00] =	vst v0;
	v0 =	vadd.s32 $0x13, v46  }
0x20: {  	[tilespmem:$0x1FE10] =	vst v0;
	v0 =	vadd.s32 $0x14, v46  }
0x21: {  	[tilespmem:$0x1FE20] =	vst v0;
	v0 =	vadd.s32 $0x15, v46  }
0x22: {  	[tilespmem:$0x1FE30] =	vst v0;
	v0 =	vadd.s32 $0x16, v46  }
0x23: {  	[tilespmem:$0x1FE40] =	vst v0;
	v0 =	vadd.s32 $0x17, v46  }
0x24: {  	[tilespmem:$0x1FE50] =	vst v0;
	v0 =	vadd.s32 $0x18, v46  }
0x25: {  	[tilespmem:$0x1FE60] =	vst v0;
	v0 =	vadd.s32 $0x19, v46  }
0x26: {  	[tilespmem:$0x1FE70] =	vst v0;
	v0 =	vadd.s32 $0x1A, v46  }
0x27: {  	[tilespmem:$0x1FE80] =	vst v0;
	v0 =	vadd.s32 $0x1B, v46  }
0x28: {  	[tilespmem:$0x1FE90] =	vst v0;
	v0 =	vadd.s32 $0x1C, v46  }
0x29: {  	[tilespmem:$0x1FEA0] =	vst v0;
	v0 =	vadd.s32 $0x1D, v46  }
0x2a: {  	s4 =	rddreg [dreg:$0x0];
	[tilespmem:$0x1FEB0] =	vst v0;
	v0 =	vadd.s32 $0x1E, v46  }
0x2b: {  	s6 =	rddreg [dreg:$0x1];
	s2 =	simm.s32 $0x0;
	[tilespmem:$0x1FEC0] =	vst v0;
	v0 =	vadd.s32 $0x1F, v46  }
0x2c: {  	s1 =	srdreg.scid;
	[smem:$0x7FF] =	sst s2;
	[tilespmem:$0x1FED0] =	vst v0;
	v0 =	vadd.s32 $0x20, v46  }
0x2d: {  	s3 =	sand.u32 $0x1, s1;
	s1 =	rddreg [dreg:$0x2];
	v48 =	vadd.s32 $0x27, v46;
	_ =	strace $0x80000047;
	[tilespmem:$0x1FEE0] =	vst v0  }
0x2e: {  	v49 =	vadd.s32 $0x28, v46;
	[tilespmem:$0x1FF60] =	vst v48  }
0x2f: {  	v50 =	vadd.s32 $0x2A, v46;
	[tilespmem:$0x1FF70] =	vst v49  }
0x30: {  	v51 =	vadd.s32 $0x2B, v46;
	[tilespmem:$0x1FF80] =	vst v50  }
0x31: {  	v52 =	vadd.s32 $0x2C, v46;
	[tilespmem:$0x1FF90] =	vst v51  }
0x32: {  	v53 =	vadd.s32 $0x2D, v46;
	[tilespmem:$0x1FFA0] =	vst v52  }
0x33: {  	v54 =	vadd.s32 $0x2E, v46;
	[tilespmem:$0x1FFB0] =	vst v53  }
0x34: {  	v55 =	vadd.s32 $0x2F, v46;
	[tilespmem:$0x1FFC0] =	vst v54  }
0x35: {  	v56 =	vadd.s32 $0x30, v46;
	[tilespmem:$0x1FFD0] =	vst v55  }
0x36: {  	v57 =	vadd.s32 $0x31, v46;
	[tilespmem:$0x1FFE0] =	vst v56  }
0x37: {  	v0 =	vadd.s32 $0x21, v46;
	[tilespmem:$0x1FFF0] =	vst v57  }
0x38: {  	s0 =	stileid.u32;
	s10 =	simm.s32 $0x6400;
	[tilespmem:$0x1FEF0] =	vst v0;
	v0 =	vadd.s32 $0x22, v46  }
0x39: {  	s11 =	simm.s32 $0x1;
	s12 =	simm.s32 $0xC800;
	s5 =	sshll.u32 s0, $0x1;
	[tilespmem:$0x1FF00] =	vst v0;
	v0 =	vadd.s32 $0x23, v46  }
0x3a: {  	s13 =	simm.s32 $0x0;
	s5 =	sor.u32 s3, s5;
	s8 =	ssub.s32 $0x2, s3;
	[tilespmem:$0x1FF10] =	vst v0;
	v0 =	vadd.s32 $0x24, v46  }
0x3b: {  	s7 =	smul.u32 $0xC80, s5;
	s9 =	sshrl.u32 s8, $0x1;
	s31 =	sshll.u32 s5, $0x6;
	[tilespmem:$0x1FF20] =	vst v0;
	v0 =	vadd.s32 $0x25, v46  }
0x3c: {  	s3 =	sadd.s32 $0x19800, s4;
	s8 =	ssub.s32 s8, s9;
	s6 =	sadd.s32 s6, s31;
	[tilespmem:$0x1FF30] =	vst v0;
	v0 =	vadd.s32 $0x26, v46  }
0x3d: {  	s9 =	simm.s32 $0xCA00;
	s7 =	sadd.s32 s7, s4;
	s4 =	sadd.s32 $0x38200, s4;
	[tilespmem:$0x1FF40] =	vst v0;
	v0 =	vadd.s32 $0x29, v46  }
0x3e: {  	v2 =	vimm.f32 $1.000000000e+00;
	v6 =	vor.u32 $0x1, v46;
	s5 =	sadd.s32 $0x800, s7;
	s7 =	smax.u32 s8, $0x1;
	s8 =	simm.s32 $0x2;
	[tilespmem:$0x1FF50] =	vst v0  }
.LBB2_1:
0x3f: {  	[tilespmem:s2], [sflag:$0x2] =	stream.linear.gather [hbm4b:s5+s2], $0x6400, $0x38;
	[tilespmem:$0xCA10] =	vst v63  }
0x40: {  	_ =	swait.ge [sflag:s8], $0x6400  }
0x41: {  	[sflag:s8] =	ssyncset.done $0x0  }
0x42: {  	[sflag:s8] =	ssyncadd.s32 $0xFFFF9C00  }
0x43: {  	[tilespmem:s9], [sflag:$0x2] =	stream.linear.gather [hbm4b:s4+s2], $0x10, $0x38;
	[tilespmem:$0xCA10] =	vst v63  }
0x44: {  	_ =	swait.ge [sflag:s8], $0x10  }
0x45: {  	v1 =	vld [tilespmem:$0x1FC80]  }
0x46: {  	v4 =	vld [tilespmem:$0x1FC90];
	_ =	sdelay $0x1  }
0x47: {  	v0 =	vadd.s32 s2, v46;
	[sflag:s8] =	ssyncset.done $0x0  }
0x48: {  	v3 =	vadd.s32 s2, v6;
	v0 =	vand.u32 $0xFFF8, v0;
	[sflag:s8] =	ssyncadd.s32 $0xFFFFFFF0  }
0x49: {  	[tilespmem:s10], [sflag:$0x1] =	stream.indirect.gather [hbm4b:s3+s10], $0x1, s2, s10, $0xb8;
	v18 =	vor.u32 v1, v0;
	v0 =	vand.u32 $0xFFF8, v3;
	[tilespmem:$0xCA10] =	vst v63  }
0x4a: {  	v19 =	vor.u32 v4, v0;
	v0 =	vld [tilespmem:$0x1FCA0];
	_ =	swait.ge [sflag:s11], $0x6400  }
0x4b: {  	v37 =	vld [tilespmem:$0x1FCB0]  }
0x4c: {  	v8 =	vld [tilespmem:$0x1FCC0]  }
0x4d: {  	v38 =	vld [tilespmem:$0x1FCD0]  }
0x4e: {  	v39 =	vld [tilespmem:$0x1FCF0]  }
0x4f: {  	v40 =	vld [tilespmem:$0x1FD10]  }
0x50: {  	v9 =	vadd.s32 s2, v53;
	v53 =	vld [tilespmem:$0x1FD20]  }
0x51: {  	v41 =	vld [tilespmem:$0x1FD30]  }
0x52: {  	v3 =	vadd.s32 s2, v56;
	v56 =	vld [tilespmem:$0x1FD40];
	v0 =	vadd.s32 s2, v0  }
0x53: {  	v10 =	vld [tilespmem:$0x1FD60];
	v0 =	vand.u32 $0xFFF8, v0  }
0x54: {  	v43 =	vld [tilespmem:$0x1FD50];
	v20 =	vor.u32 v37, v0;
	v0 =	vadd.s32 s2, v8  }
0x55: {  	v58 =	vld [tilespmem:$0x1FDA0];
	v0 =	vand.u32 $0xFFF8, v0  }
0x56: {  	[sflag:s11] =	ssyncset.done $0x0;
	v22 =	vor.u32 v38, v0;
	v0 =	vld [tilespmem:$0x1FCE0]  }
0x57: {  	v5 =	vadd.s32 s2, v55;
	v55 =	vld [tilespmem:$0x1FDC0];
	[sflag:s11] =	ssyncadd.s32 $0xFFFF9C00  }
0x58: {  	v21 =	vld.idx.msk [tilespmem:v18+s2+$0x0], $0xffff  }
0x59: {  	v25 =	vld.idx.msk [tilespmem:v20+s2+$0x0], $0xffff  }
0x5a: {  	v16 =	vld [tilespmem:$0x1FF10]  }
0x5b: {  	v23 =	vld.idx.msk [tilespmem:v19+s2+$0x0], $0xffff;
	v7 =	vadd.s32 s2, v0  }
0x5c: {  	v28 =	vld.idx.msk [tilespmem:v22+s2+$0x0], $0xffff;
	v7 =	vand.u32 $0xFFF8, v7  }
0x5d: {  	vm0 =	veq.s32 v21, $0x0;
	v24 =	vor.u32 v39, v7;
	v7 =	vld [tilespmem:$0x1FD00]  }
0x5e: {  	v21 =	vadd.s32 s2, v56;
	vm14 =	veq.s32 v25, $0x0;
	v25 =	vadd.s32 s2, v10;
	v10 =	vld [tilespmem:$0x1FD70]  }
0x5f: {  	v14 =	vld [tilespmem:$0x1FF20];
	v21 =	vand.u32 $0xFFF8, v21  }
0x60: {  	v19 =	vld.idx.msk [tilespmem:v19+s10+$0x0], $0xffff;
	v21 =	vor.u32 v43, v21  }
0x61: {  	v20 =	vld.idx.msk [tilespmem:v20+s10+$0x0], $0xffff  }
0x62: {  	v27 =	vadd.s32 s2, v53;
	vm1 =	veq.s32 v23, $0x0;
	v13 =	vadd.s32 s2, v7;
	v23 =	vld.idx.msk [tilespmem:v24+s2+$0x0], $0xffff  }
0x63: {  	vm15 =	veq.s32 v28, $0x0;
	v13 =	vand.u32 $0xFFF8, v13;
	v28 =	vadd.s32 s2, v10;
	v10 =	vld [tilespmem:$0x1FD80]  }
0x64: {  	v27 =	vand.u32 $0xFFF8, v27;
	v22 =	vld.idx.msk [tilespmem:v22+s10+$0x0], $0xffff;
	v26 =	vor.u32 v40, v13  }
0x65: {  	v27 =	vor.u32 v41, v27;
	v33 =	vld.idx.msk [tilespmem:v21+s2+$0x0], $0xffff  }
0x66: {  	v21 =	vld.idx.msk [tilespmem:v21+s10+$0x0], $0xffff  }
0x67: {  	v29 =	vsel vm0, $0x0, v2;
	v30 =	vsel vm1, $0x0, v2;
	vm4 =	veq.s32 v23, $0x0;
	v23 =	vld.idx.msk [tilespmem:v18+s10+$0x0], $0xffff  }
0x68: {  	v29 =	vadd.f32 v30, v29;
	v18 =	vadd.s32 s2, v10;
	v10 =	vld [tilespmem:$0x1FD90]  }
0x69: {  	v31 =	vsel vm14, $0x0, v2;
	v25 =	vand.u32 $0xFFF8, v25;
	v30 =	vld.idx.msk [tilespmem:v26+s2+$0x0], $0xffff  }
0x6a: {  	v29 =	vadd.f32 v31, v29;
	v25 =	vor.u32 v1, v25;
	v31 =	vld.idx.msk [tilespmem:v27+s2+$0x0], $0xffff  }
0x6b: {  	v27 =	vld.idx.msk [tilespmem:v27+s10+$0x0], $0xffff  }
0x6c: {  	v32 =	vsel vm15, $0x0, v2;
	v24 =	vld.idx.msk [tilespmem:v24+s10+$0x0], $0xffff;
	v28 =	vand.u32 $0xFFF8, v28  }
0x6d: {  	v7 =	vadd.s32 s2, v54;
	v54 =	vld [tilespmem:$0x1FDF0];
	v28 =	vor.u32 v4, v28;
	v18 =	vand.u32 $0xFFF8, v18  }
0x6e: {  	vm5 =	veq.s32 v30, $0x0;
	v30 =	vor.u32 v37, v18;
	v18 =	vadd.s32 s2, v10;
	v10 =	vld [tilespmem:$0x1FDB0]  }
0x6f: {  	v15 =	vadd.s32 s2, v50;
	v17 =	vadd.s32 s2, v48;
	v29 =	vadd.f32 v32, v29;
	v34 =	vld.idx.msk [tilespmem:v25+s2+$0x0], $0xffff  }
0x70: {  	v25 =	vld.idx.msk [tilespmem:v25+s10+$0x0], $0xffff;
	v45 =	vsel vm4, $0x0, v2;
	v23 =	vadd.f32 $0.0e+00, v23;
	v35 =	vand.u32 $0xFFF8, v18  }
0x71: {  	vm6 =	veq.s32 v31, $0x0;
	v29 =	vadd.f32 v45, v29;
	v26 =	vld.idx.msk [tilespmem:v26+s10+$0x0], $0xffff;
	v31 =	vor.u32 v38, v35  }
0x72: {  	v36 =	vld.idx.msk [tilespmem:v28+s2+$0x0], $0xffff;
	v19 =	vadd.f32 v19, v23;
	v18 =	vadd.s32 s2, v49;
	v49 =	vadd.s32 s2, v58  }
0x73: {  	v47 =	vsel vm5, $0x0, v2;
	v35 =	vand.u32 $0xFFF8, v49;
	v50 =	vadd.s32 s2, v10;
	v10 =	vld [tilespmem:$0x1FDD0]  }
0x74: {  	v13 =	vadd.s32 s2, v51;
	v28 =	vld.idx.msk [tilespmem:v28+s10+$0x0], $0xffff;
	v29 =	vadd.f32 v47, v29;
	v51 =	vor.u32 v39, v35  }
0x75: {  	v0 =	vadd.s32 s2, v57;
	v48 =	vsel vm6, $0x0, v2;
	v19 =	vadd.f32 v20, v19;
	v57 =	vld.idx.msk [tilespmem:v30+s2+$0x0], $0xffff  }
0x76: {  	vm7 =	veq.s32 v33, $0x0;
	v29 =	vadd.f32 v48, v29;
	v20 =	vld.idx.msk [tilespmem:v31+s2+$0x0], $0xffff  }
0x77: {  	v23 =	vsel vm7, $0x0, v2;
	v19 =	vadd.f32 v22, v19;
	v32 =	vand.u32 $0xFFF8, v50;
	v31 =	vld.idx.msk [tilespmem:v31+s10+$0x0], $0xffff  }
0x78: {  	v23 =	vadd.f32 v23, v29;
	v29 =	vadd.s32 s2, v55;
	v59 =	vadd.s32 s2, v10;
	v10 =	vld [tilespmem:$0x1FDE0]  }
0x79: {  	vm8 =	veq.s32 v34, $0x0;
	v32 =	vor.u32 v40, v32;
	v29 =	vand.u32 $0xFFF8, v29;
	v22 =	vld.idx.msk [tilespmem:v51+s2+$0x0], $0xffff  }
0x7a: {  	v34 =	vsel vm8, $0x0, v2;
	v19 =	vadd.f32 v24, v19;
	v29 =	vor.u32 v41, v29;
	v33 =	vld.idx.msk [tilespmem:v51+s10+$0x0], $0xffff  }
0x7b: {  	vm9 =	veq.s32 v36, $0x0;
	v23 =	vadd.f32 v34, v23;
	vm10 =	veq.s32 v57, $0x0;
	v57 =	vld [tilespmem:$0x1FE20]  }
0x7c: {  	v36 =	vsel vm9, $0x0, v2;
	v19 =	vadd.f32 v26, v19;
	v34 =	vand.u32 $0xFFF8, v59;
	v59 =	vld [tilespmem:$0x1FE40]  }
0x7d: {  	v23 =	vadd.f32 v36, v23;
	v60 =	vadd.s32 s2, v10;
	v10 =	vld [tilespmem:$0x1FE00]  }
0x7e: {  	v19 =	vadd.f32 v27, v19;
	v24 =	vsel vm10, $0x0, v2;
	v61 =	vld.idx.msk [tilespmem:v32+s2+$0x0], $0xffff  }
0x7f: {  	v34 =	vor.u32 v43, v34;
	v23 =	vadd.f32 v24, v23;
	vm11 =	veq.s32 v20, $0x0;
	v26 =	vld.idx.msk [tilespmem:v29+s2+$0x0], $0xffff  }
0x80: {  	v20 =	vadd.s32 s2, v54;
	v62 =	vsel vm11, $0x0, v2;
	v29 =	vld.idx.msk [tilespmem:v29+s10+$0x0], $0xffff;
	v36 =	vand.u32 $0xFFF8, v60  }
0x81: {  	v19 =	vadd.f32 v21, v19;
	v23 =	vadd.f32 v62, v23;
	v62 =	vld [tilespmem:$0x1FE70];
	v24 =	vor.u32 v1, v36  }
0x82: {  	vm12 =	veq.s32 v22, $0x0;
	v20 =	vand.u32 $0xFFF8, v20;
	v22 =	vadd.s32 s2, v10;
	v10 =	vld [tilespmem:$0x1FE10]  }
0x83: {  	v20 =	vor.u32 v4, v20;
	v60 =	vld [tilespmem:$0x1FE50]  }
0x84: {  	v63 =	vsel vm12, $0x0, v2;
	v19 =	vadd.f32 v25, v19;
	v27 =	vld.idx.msk [tilespmem:v34+s2+$0x0], $0xffff  }
0x85: {  	v23 =	vadd.f32 v63, v23;
	vm13 =	veq.s32 v61, $0x0;
	vm14 =	veq.s32 v26, $0x0;
	v26 =	vld.idx.msk [tilespmem:v30+s10+$0x0], $0xffff  }
0x86: {  	v19 =	vadd.f32 v28, v19;
	v21 =	vsel vm13, $0x0, v2;
	v44 =	vld.idx.msk [tilespmem:v24+s2+$0x0], $0xffff  }
0x87: {  	v21 =	vadd.f32 v21, v23;
	v22 =	vand.u32 $0xFFF8, v22;
	v42 =	vadd.s32 s2, v10;
	v10 =	vld [tilespmem:$0x1FE30]  }
0x88: {  	v23 =	vadd.s32 s2, v57;
	v45 =	vsel vm14, $0x0, v2;
	v25 =	vld.idx.msk [tilespmem:v20+s2+$0x0], $0xffff;
	v22 =	vor.u32 v37, v22  }
0x89: {  	v61 =	vld [tilespmem:$0x1FE60];
	v23 =	vand.u32 $0xFFF8, v23;
	v21 =	vadd.f32 v45, v21;
	vm15 =	veq.s32 v27, $0x0  }
0x8a: {  	v48 =	vadd.s32 s2, v59;
	v34 =	vld.idx.msk [tilespmem:v34+s10+$0x0], $0xffff;
	v23 =	vor.u32 v39, v23;
	v47 =	vsel vm15, $0x0, v2  }
0x8b: {  	v20 =	vld.idx.msk [tilespmem:v20+s10+$0x0], $0xffff;
	v19 =	vadd.f32 v26, v19;
	v21 =	vadd.f32 v47, v21;
	v36 =	vand.u32 $0xFFF8, v42  }
0x8c: {  	v24 =	vld.idx.msk [tilespmem:v24+s10+$0x0], $0xffff;
	v30 =	vor.u32 v38, v36;
	vm4 =	veq.s32 v44, $0x0;
	v27 =	vadd.s32 s2, v10  }
0x8d: {  	vm5 =	veq.s32 v25, $0x0;
	v28 =	vld.idx.msk [tilespmem:v22+s2+$0x0], $0xffff;
	v26 =	vsel vm4, $0x0, v2;
	v27 =	vand.u32 $0xFFF8, v27  }
0x8e: {  	v36 =	vand.u32 $0xFFF8, v48;
	v21 =	vadd.f32 v26, v21;
	v26 =	vld.idx.msk [tilespmem:v32+s10+$0x0], $0xffff;
	v27 =	vor.u32 v40, v27  }
0x8f: {  	v25 =	vadd.s32 s2, v60;
	v19 =	vadd.f32 v31, v19;
	v31 =	vld.idx.msk [tilespmem:v23+s2+$0x0], $0xffff;
	v32 =	vor.u32 v41, v36  }
0x90: {  	v11 =	vadd.s32 s2, v52;
	v63 =	vadd.s32 s2, v62;
	v25 =	vand.u32 $0xFFF8, v25;
	v23 =	vld.idx.msk [tilespmem:v23+s10+$0x0], $0xffff  }
0x91: {  	v50 =	vsel vm5, $0x0, v2;
	v25 =	vor.u32 v43, v25;
	v19 =	vadd.f32 v33, v19;
	v49 =	vld.idx.msk [tilespmem:v30+s2+$0x0], $0xffff  }
0x92: {  	v36 =	vand.u32 $0xFFF8, v63;
	v63 =	vld [tilespmem:$0x1FE80];
	vm6 =	veq.s32 v28, $0x0;
	v28 =	vadd.s32 s2, v61  }
0x93: {  	v21 =	vadd.f32 v50, v21;
	v28 =	vand.u32 $0xFFF8, v28;
	v19 =	vadd.f32 v26, v19;
	v52 =	vld.idx.msk [tilespmem:v27+s2+$0x0], $0xffff  }
0x94: {  	v51 =	vsel vm6, $0x0, v2;
	v28 =	vor.u32 v1, v28;
	v35 =	vld.idx.msk [tilespmem:v32+s2+$0x0], $0xffff  }
0x95: {  	v21 =	vadd.f32 v51, v21;
	v51 =	vld [tilespmem:$0x1FEA0];
	v19 =	vadd.f32 v29, v19  }
0x96: {  	vm8 =	veq.s32 v31, $0x0;
	v29 =	vld.idx.msk [tilespmem:v25+s2+$0x0], $0xffff;
	vm7 =	veq.s32 v49, $0x0  }
0x97: {  	v31 =	vor.u32 v4, v36;
	v49 =	vld [tilespmem:$0x1FEC0];
	v26 =	vsel vm7, $0x0, v2;
	v19 =	vadd.f32 v34, v19  }
0x98: {  	v21 =	vadd.f32 v26, v21;
	v26 =	vadd.s32 s2, v63;
	vm9 =	veq.s32 v52, $0x0;
	v52 =	vld [tilespmem:$0x1FE90]  }
0x99: {  	v42 =	vsel vm8, $0x0, v2;
	v47 =	vld.idx.msk [tilespmem:v28+s2+$0x0], $0xffff;
	vm10 =	veq.s32 v35, $0x0;
	v26 =	vand.u32 $0xFFF8, v26  }
0x9a: {  	v22 =	vld.idx.msk [tilespmem:v22+s10+$0x0], $0xffff;
	v19 =	vadd.f32 v24, v19;
	v24 =	vsel vm10, $0x0, v2;
	v21 =	vadd.f32 v42, v21  }
0x9b: {  	v50 =	vld [tilespmem:$0x1FEB0];
	v26 =	vor.u32 v37, v26;
	v42 =	vadd.s32 s2, v51;
	vm11 =	veq.s32 v29, $0x0  }
0x9c: {  	v32 =	vld.idx.msk [tilespmem:v32+s10+$0x0], $0xffff;
	v36 =	vand.u32 $0xFFF8, v42;
	v19 =	vadd.f32 v20, v19;
	v45 =	vsel vm9, $0x0, v2  }
0x9d: {  	v29 =	vld.idx.msk [tilespmem:v30+s10+$0x0], $0xffff;
	v30 =	vor.u32 v39, v36;
	v21 =	vadd.f32 v45, v21;
	v44 =	vadd.s32 s2, v52  }
0x9e: {  	v27 =	vld.idx.msk [tilespmem:v27+s10+$0x0], $0xffff;
	vm12 =	veq.s32 v47, $0x0;
	v47 =	vadd.s32 s2, v49;
	v33 =	vand.u32 $0xFFF8, v44  }
0x9f: {  	v34 =	vand.u32 $0xFFF8, v47;
	v47 =	vld [tilespmem:$0x1FED0];
	v21 =	vadd.f32 v24, v21;
	v33 =	vor.u32 v38, v33  }
0xa0: {  	v45 =	vsel vm11, $0x0, v2;
	v19 =	vadd.f32 v22, v19;
	v34 =	vor.u32 v41, v34;
	v44 =	vld.idx.msk [tilespmem:v31+s2+$0x0], $0xffff  }
0xa1: {  	v24 =	vadd.s32 s2, v50;
	v20 =	vld.idx.msk [tilespmem:v26+s2+$0x0], $0xffff;
	v21 =	vadd.f32 v45, v21  }
0xa2: {  	v48 =	vsel vm12, $0x0, v2;
	v19 =	vadd.f32 v29, v19;
	v24 =	vand.u32 $0xFFF8, v24;
	v29 =	vld.idx.msk [tilespmem:v30+s2+$0x0], $0xffff  }
0xa3: {  	v24 =	vor.u32 v40, v24;
	v21 =	vadd.f32 v48, v21;
	v48 =	vld [tilespmem:$0x1FEE0]  }
0xa4: {  	v22 =	vld.idx.msk [tilespmem:v33+s2+$0x0], $0xffff  }
0xa5: {  	v19 =	vadd.f32 v23, v19;
	v45 =	vadd.s32 s2, v47;
	v36 =	vld.idx.msk [tilespmem:v34+s2+$0x0], $0xffff;
	vm13 =	veq.s32 v44, $0x0  }
0xa6: {  	vm14 =	veq.s32 v20, $0x0;
	v20 =	vand.u32 $0xFFF8, v45;
	v45 =	vld [tilespmem:$0x1FEF0];
	v35 =	vsel vm13, $0x0, v2  }
0xa7: {  	v19 =	vadd.f32 v27, v19;
	v44 =	vld [tilespmem:$0x1FF30];
	v21 =	vadd.f32 v35, v21  }
0xa8: {  	v23 =	vsel vm14, $0x0, v2;
	v20 =	vor.u32 v43, v20;
	v42 =	vadd.s32 s2, v48;
	v35 =	vld.idx.msk [tilespmem:v24+s2+$0x0], $0xffff  }
0xa9: {  	v21 =	vadd.f32 v23, v21;
	vm15 =	veq.s32 v22, $0x0;
	v22 =	vand.u32 $0xFFF8, v42;
	v42 =	vld [tilespmem:$0x1FF00]  }
0xaa: {  	vm4 =	veq.s32 v29, $0x0;
	v23 =	vld.idx.msk [tilespmem:v25+s10+$0x0], $0xffff;
	v25 =	vsel vm15, $0x0, v2  }
0xab: {  	v12 =	vld [tilespmem:$0x1FF40];
	v19 =	vadd.f32 v32, v19;
	v32 =	vsel vm4, $0x0, v2;
	v21 =	vadd.f32 v25, v21  }
0xac: {  	v28 =	vld.idx.msk [tilespmem:v28+s10+$0x0], $0xffff;
	vm6 =	veq.s32 v36, $0x0;
	v22 =	vor.u32 v1, v22;
	v25 =	vadd.s32 s2, v45  }
0xad: {  	v36 =	vsel vm6, $0x0, v2;
	v25 =	vand.u32 $0xFFF8, v25;
	v21 =	vadd.f32 v32, v21;
	v32 =	vld.idx.msk [tilespmem:v20+s2+$0x0], $0xffff  }
0xae: {  	v31 =	vld.idx.msk [tilespmem:v31+s10+$0x0], $0xffff;
	v27 =	vadd.s32 s2, v44;
	v25 =	vor.u32 v4, v25;
	v29 =	vadd.s32 s2, v42  }
0xaf: {  	v10 =	vld [tilespmem:$0x1FF50];
	vm5 =	veq.s32 v35, $0x0;
	v19 =	vadd.f32 v23, v19;
	v29 =	vand.u32 $0xFFF8, v29  }
0xb0: {  	v26 =	vld.idx.msk [tilespmem:v26+s10+$0x0], $0xffff;
	v35 =	vadd.s32 s2, v16;
	v23 =	vsel vm5, $0x0, v2;
	v29 =	vor.u32 v37, v29  }
0xb1: {  	v35 =	vand.u32 $0xFFF8, v35;
	v19 =	vadd.f32 v28, v19;
	v21 =	vadd.f32 v23, v21;
	v23 =	vld.idx.msk [tilespmem:v22+s2+$0x0], $0xffff  }
0xb2: {  	v35 =	vor.u32 v38, v35;
	v28 =	vadd.s32 s2, v14;
	vm7 =	veq.s32 v32, $0x0;
	v32 =	vld.idx.msk [tilespmem:v33+s10+$0x0], $0xffff  }
0xb3: {  	v28 =	vand.u32 $0xFFF8, v28;
	v19 =	vadd.f32 v31, v19;
	v21 =	vadd.f32 v36, v21;
	v36 =	vld.idx.msk [tilespmem:v25+s2+$0x0], $0xffff  }
0xb4: {  	v17 =	vand.u32 $0xFFF8, v17;
	v30 =	vld.idx.msk [tilespmem:v30+s10+$0x0], $0xffff;
	v27 =	vand.u32 $0xFFF8, v27;
	v28 =	vor.u32 v39, v28  }
0xb5: {  	v27 =	vor.u32 v40, v27;
	v19 =	vadd.f32 v26, v19;
	v31 =	vsel vm7, $0x0, v2;
	v33 =	vld.idx.msk [tilespmem:v29+s2+$0x0], $0xffff  }
0xb6: {  	v24 =	vld.idx.msk [tilespmem:v24+s10+$0x0], $0xffff;
	v21 =	vadd.f32 v31, v21;
	vm8 =	veq.s32 v23, $0x0;
	v23 =	vadd.s32 s2, v12  }
0xb7: {  	v26 =	vld.idx.msk [tilespmem:v35+s2+$0x0], $0xffff;
	v31 =	vsel vm8, $0x0, v2;
	v23 =	vand.u32 $0xFFF8, v23;
	v19 =	vadd.f32 v32, v19  }
0xb8: {  	v34 =	vld.idx.msk [tilespmem:v34+s10+$0x0], $0xffff;
	v21 =	vadd.f32 v31, v21;
	v23 =	vor.u32 v41, v23;
	vm9 =	veq.s32 v36, $0x0  }
0xb9: {  	v17 =	vor.u32 v43, v17;
	v32 =	vld.idx.msk [tilespmem:v28+s2+$0x0], $0xffff;
	v36 =	vsel vm9, $0x0, v2;
	v19 =	vadd.f32 v30, v19  }
0xba: {  	v18 =	vand.u32 $0xFFF8, v18;
	v20 =	vld.idx.msk [tilespmem:v20+s10+$0x0], $0xffff;
	v21 =	vadd.f32 v36, v21;
	vm10 =	veq.s32 v33, $0x0  }
0xbb: {  	v18 =	vor.u32 v1, v18;
	v36 =	vld.idx.msk [tilespmem:v27+s2+$0x0], $0xffff;
	v30 =	vsel vm10, $0x0, v2;
	v19 =	vadd.f32 v24, v19  }
0xbc: {  	v22 =	vld.idx.msk [tilespmem:v22+s10+$0x0], $0xffff;
	v31 =	vadd.s32 s2, v10;
	vm11 =	veq.s32 v26, $0x0;
	v21 =	vadd.f32 v30, v21  }
0xbd: {  	v26 =	vld.idx.msk [tilespmem:v23+s2+$0x0], $0xffff;
	v24 =	vsel vm11, $0x0, v2;
	v30 =	vand.u32 $0xFFF8, v31;
	v19 =	vadd.f32 v34, v19  }
0xbe: {  	v25 =	vld.idx.msk [tilespmem:v25+s10+$0x0], $0xffff;
	vm12 =	veq.s32 v32, $0x0;
	v30 =	vor.u32 v4, v30;
	v21 =	vadd.f32 v24, v21  }
0xbf: {  	v15 =	vand.u32 $0xFFF8, v15;
	v31 =	vsel vm12, $0x0, v2;
	v24 =	vld.idx.msk [tilespmem:v17+s2+$0x0], $0xffff;
	v19 =	vadd.f32 v20, v19  }
0xc0: {  	v15 =	vor.u32 v37, v15;
	v29 =	vld.idx.msk [tilespmem:v29+s10+$0x0], $0xffff;
	vm13 =	veq.s32 v36, $0x0;
	v21 =	vadd.f32 v31, v21  }
0xc1: {  	v13 =	vand.u32 $0xFFF8, v13;
	v20 =	vsel vm13, $0x0, v2;
	v31 =	vld.idx.msk [tilespmem:v18+s2+$0x0], $0xffff;
	v19 =	vadd.f32 v22, v19  }
0xc2: {  	v13 =	vor.u32 v38, v13;
	vm14 =	veq.s32 v26, $0x0;
	v26 =	vld.idx.msk [tilespmem:v35+s10+$0x0], $0xffff;
	v20 =	vadd.f32 v20, v21  }
0xc3: {  	v22 =	vsel vm14, $0x0, v2;
	v21 =	vld.idx.msk [tilespmem:v30+s2+$0x0], $0xffff;
	v19 =	vadd.f32 v25, v19  }
0xc4: {  	vm15 =	veq.s32 v24, $0x0;
	v25 =	vld.idx.msk [tilespmem:v28+s10+$0x0], $0xffff;
	v20 =	vadd.f32 v22, v20  }
0xc5: {  	v11 =	vand.u32 $0xFFF8, v11;
	v22 =	vld.idx.msk [tilespmem:v15+s2+$0x0], $0xffff;
	v24 =	vsel vm15, $0x0, v2;
	v19 =	vadd.f32 v29, v19  }
0xc6: {  	v11 =	vor.u32 v39, v11;
	v27 =	vld.idx.msk [tilespmem:v27+s10+$0x0], $0xffff;
	vm4 =	veq.s32 v31, $0x0;
	v20 =	vadd.f32 v24, v20  }
0xc7: {  	v9 =	vand.u32 $0xFFF8, v9;
	v24 =	vld.idx.msk [tilespmem:v13+s2+$0x0], $0xffff;
	v28 =	vsel vm4, $0x0, v2;
	v19 =	vadd.f32 v26, v19  }
0xc8: {  	v9 =	vor.u32 v40, v9;
	v23 =	vld.idx.msk [tilespmem:v23+s10+$0x0], $0xffff;
	vm5 =	veq.s32 v21, $0x0;
	v20 =	vadd.f32 v28, v20  }
0xc9: {  	v7 =	vand.u32 $0xFFF8, v7;
	v26 =	vsel vm5, $0x0, v2;
	v19 =	vadd.f32 v25, v19  }
0xca: {  	v7 =	vor.u32 v41, v7;
	v17 =	vld.idx.msk [tilespmem:v17+s10+$0x0], $0xffff;
	vm6 =	veq.s32 v22, $0x0;
	v20 =	vadd.f32 v26, v20  }
0xcb: {  	v5 =	vand.u32 $0xFFF8, v5;
	v21 =	vld.idx.msk [tilespmem:v11+s2+$0x0], $0xffff;
	v25 =	vsel vm6, $0x0, v2;
	v19 =	vadd.f32 v27, v19  }
0xcc: {  	v5 =	vor.u32 v43, v5;
	v18 =	vld.idx.msk [tilespmem:v18+s10+$0x0], $0xffff;
	vm7 =	veq.s32 v24, $0x0;
	v20 =	vadd.f32 v25, v20  }
0xcd: {  	v3 =	vand.u32 $0xFFF8, v3;
	v22 =	vld.idx.msk [tilespmem:v9+s2+$0x0], $0xffff;
	v25 =	vsel vm7, $0x0, v2;
	v19 =	vadd.f32 v23, v19  }
0xce: {  	v3 =	vor.u32 v1, v3;
	v20 =	vadd.f32 v25, v20;
	v25 =	vld.idx.msk [tilespmem:v30+s10+$0x0], $0xffff  }
0xcf: {  	v0 =	vand.u32 $0xFFF8, v0;
	v24 =	vld.idx.msk [tilespmem:v7+s2+$0x0], $0xffff;
	v17 =	vadd.f32 v17, v19  }
0xd0: {  	v0 =	vor.u32 v4, v0;
	v15 =	vld.idx.msk [tilespmem:v15+s10+$0x0], $0xffff;
	vm8 =	veq.s32 v21, $0x0  }
0xd1: {  	v21 =	vld.idx.msk [tilespmem:v5+s2+$0x0], $0xffff;
	v23 =	vsel vm8, $0x0, v2;
	v17 =	vadd.f32 v18, v17  }
0xd2: {  	v13 =	vld.idx.msk [tilespmem:v13+s10+$0x0], $0xffff;
	vm9 =	veq.s32 v22, $0x0;
	v20 =	vadd.f32 v23, v20  }
0xd3: {  	v22 =	vld.idx.msk [tilespmem:v3+s2+$0x0], $0xffff;
	v19 =	vsel vm9, $0x0, v2;
	v17 =	vadd.f32 v25, v17  }
0xd4: {  	v11 =	vld.idx.msk [tilespmem:v11+s10+$0x0], $0xffff;
	vm10 =	veq.s32 v24, $0x0;
	v19 =	vadd.f32 v19, v20  }
0xd5: {  	v18 =	vsel vm10, $0x0, v2;
	v20 =	vld.idx.msk [tilespmem:v0+s2+$0x0], $0xffff;
	v15 =	vadd.f32 v15, v17  }
0xd6: {  	v9 =	vld.idx.msk [tilespmem:v9+s10+$0x0], $0xffff;
	vm11 =	veq.s32 v21, $0x0;
	v18 =	vadd.f32 v18, v19  }
0xd7: {  	v19 =	vsel vm11, $0x0, v2;
	v13 =	vadd.f32 v13, v15  }
0xd8: {  	v7 =	vld.idx.msk [tilespmem:v7+s10+$0x0], $0xffff;
	vm12 =	veq.s32 v22, $0x0;
	v18 =	vadd.f32 v19, v18  }
0xd9: {  	v17 =	vsel vm12, $0x0, v2;
	v11 =	vadd.f32 v11, v13  }
0xda: {  	v5 =	vld.idx.msk [tilespmem:v5+s10+$0x0], $0xffff;
	vm13 =	veq.s32 v20, $0x0;
	v17 =	vadd.f32 v17, v18  }
0xdb: {  	v15 =	vsel vm13, $0x0, v2;
	v9 =	vadd.f32 v9, v11  }
0xdc: {  	v3 =	vld.idx.msk [tilespmem:v3+s10+$0x0], $0xffff;
	v15 =	vadd.f32 v15, v17  }
0xdd: {  	v7 =	vadd.f32 v7, v9  }
0xde: {  	v0 =	vld.idx.msk [tilespmem:v0+s10+$0x0], $0xffff;
	v13 =	vmax.f32 v15, $1.000000000e+00  }
0xdf: {  	(erf) = vrcp.f32 v13;
	v5 =	vadd.f32 v5, v7;
	_ =	sdelay $0x1  }
0xe0: {  	s14 =	simm.s32 $0x320;
	v3 =	vadd.f32 v3, v5  }
0xe1: {  	v5 =	vadd.s32 s14, v46  }
0xe2: {  	v0 =	vadd.f32 v0, v3;
	v3 =	vand.u32 $0xFFF8, v5;
	v5 =	vadd.s32 s14, v6  }
0xe3: {  	v18 =	vor.u32 v1, v3;
	v3 =	vand.u32 $0xFFF8, v5  }
0xe4: {  	v19 =	vor.u32 v4, v3;
	v3 =	vld [tilespmem:$0x1FCA0]  }
0xe5: {  	v9 =	vld [tilespmem:$0xCA00];
	_ =	sdelay $0x1  }
0xe6: {  	v7 =	vpop (erf)  }
0xe7: {  	v0 =	vmul.f32 v7, v0  }
0xe8: {  	v3 =	vadd.s32 s14, v3  }
0xe9: {  	v0 =	vadd.f32 v0, v9;
	v3 =	vand.u32 $0xFFF8, v3  }
0xea: {  	v20 =	vor.u32 v37, v3;
	v3 =	vadd.s32 s14, v8;
	v8 =	vld [tilespmem:$0x1FFA0]  }
0xeb: {  	[tilespmem:s12+$0x0] =	vst v0;
	v0 =	vld [tilespmem:$0x1FFE0];
	_ =	sdelay $0x3  }
0xec: {  	v11 =	vadd.s32 s14, v8;
	v8 =	vld [tilespmem:$0x1FFB0]  }
0xed: {  	v5 =	vand.u32 $0xFFF8, v3;
	v3 =	vadd.s32 s14, v0;
	v0 =	vld [tilespmem:$0x1FCE0];
	_ =	sdelay $0x3  }
0xee: {  	[tilespmem:$0x1FC70] =	vst v9;
	v9 =	vadd.s32 s14, v8;
	v8 =	vld [tilespmem:$0x1FF80]  }
0xef: {  	v7 =	vadd.s32 s14, v0  }
0xf0: {  	v17 =	vld.idx.msk [tilespmem:v18+s2+$0x0], $0xffff;
	v7 =	vand.u32 $0xFFF8, v7  }
0xf1: {  	v23 =	vor.u32 v39, v7;
	v7 =	vld [tilespmem:$0x1FD00]  }
0xf2: {  	v15 =	vadd.s32 s14, v53;
	v22 =	vld.idx.msk [tilespmem:v19+s2+$0x0], $0xffff  }
0xf3: {  	v26 =	vand.u32 $0xFFF8, v15;
	v15 =	vadd.s32 s14, v8;
	v8 =	vld [tilespmem:$0x1FF90];
	_ =	sdelay $0x1  }
0xf4: {  	v24 =	vld.idx.msk [tilespmem:v20+s2+$0x0], $0xffff  }
0xf5: {  	v28 =	vadd.s32 s14, v56;
	v7 =	vadd.s32 s14, v7  }
0xf6: {  	v26 =	vor.u32 v41, v26;
	vm14 =	veq.s32 v17, $0x0;
	v13 =	vand.u32 $0xFFF8, v7  }
0xf7: {  	vm15 =	veq.s32 v22, $0x0;
	v25 =	vor.u32 v40, v13;
	v13 =	vadd.s32 s14, v8;
	v8 =	vld [tilespmem:$0x1FF60]  }
0xf8: {  	v17 =	vand.u32 $0xFFF8, v28;
	v28 =	vsel vm14, $0x0, v2;
	v29 =	vsel vm15, $0x0, v2  }
0xf9: {  	v21 =	vor.u32 v38, v5;
	v28 =	vadd.f32 v29, v28;
	vm4 =	veq.s32 v24, $0x0  }
0xfa: {  	v18 =	vld.idx.msk [tilespmem:v18+s10+$0x0], $0xffff;
	v30 =	vor.u32 v43, v17;
	v31 =	vsel vm4, $0x0, v2  }
0xfb: {  	v28 =	vadd.f32 v31, v28;
	v31 =	vld.idx.msk [tilespmem:v26+s2+$0x0], $0xffff  }
0xfc: {  	v17 =	vadd.s32 s14, v8;
	v8 =	vld [tilespmem:$0x1FD60]  }
0xfd: {  	v19 =	vld.idx.msk [tilespmem:v19+s10+$0x0], $0xffff  }
0xfe: {  	v27 =	vld.idx.msk [tilespmem:v21+s2+$0x0], $0xffff  }
0xff: {  	v32 =	vld.idx.msk [tilespmem:v30+s2+$0x0], $0xffff  }
0x100: {  	vm8 =	veq.s32 v31, $0x0;
	v31 =	vadd.s32 s14, v58;
	v58 =	vld [tilespmem:$0x1FDB0]  }
0x101: {  	v24 =	vadd.s32 s14, v8;
	v8 =	vld [tilespmem:$0x1FD70]  }
0x102: {  	v20 =	vld.idx.msk [tilespmem:v20+s10+$0x0], $0xffff  }
0x103: {  	v18 =	vadd.f32 $0.0e+00, v18  }
0x104: {  	v21 =	vld.idx.msk [tilespmem:v21+s10+$0x0], $0xffff  }
0x105: {  	v18 =	vadd.f32 v19, v18;
	vm5 =	veq.s32 v27, $0x0;
	v22 =	vld.idx.msk [tilespmem:v23+s2+$0x0], $0xffff;
	vm9 =	veq.s32 v32, $0x0  }
0x106: {  	v31 =	vand.u32 $0xFFF8, v31;
	v32 =	vadd.s32 s14, v58;
	v27 =	vadd.s32 s14, v8;
	v8 =	vld [tilespmem:$0x1FD80]  }
0x107: {  	v18 =	vadd.f32 v20, v18;
	v31 =	vor.u32 v39, v31;
	v32 =	vand.u32 $0xFFF8, v32  }
0x108: {  	v23 =	vld.idx.msk [tilespmem:v23+s10+$0x0], $0xffff;
	v32 =	vor.u32 v40, v32  }
0x109: {  	v18 =	vadd.f32 v21, v18;
	v29 =	vld.idx.msk [tilespmem:v25+s2+$0x0], $0xffff;
	v24 =	vand.u32 $0xFFF8, v24  }
0x10a: {  	v30 =	vld.idx.msk [tilespmem:v30+s10+$0x0], $0xffff;
	v53 =	vsel vm5, $0x0, v2;
	v24 =	vor.u32 v1, v24;
	v27 =	vand.u32 $0xFFF8, v27  }
0x10b: {  	vm6 =	veq.s32 v22, $0x0;
	v22 =	vor.u32 v4, v27;
	v27 =	vadd.s32 s14, v8;
	v8 =	vld [tilespmem:$0x1FD90]  }
0x10c: {  	v28 =	vadd.f32 v53, v28;
	v21 =	vld.idx.msk [tilespmem:v31+s2+$0x0], $0xffff  }
0x10d: {  	v18 =	vadd.f32 v23, v18;
	v56 =	vsel vm6, $0x0, v2;
	v23 =	vld.idx.msk [tilespmem:v32+s2+$0x0], $0xffff;
	v27 =	vand.u32 $0xFFF8, v27  }
0x10e: {  	v28 =	vadd.f32 v56, v28;
	v25 =	vld.idx.msk [tilespmem:v25+s10+$0x0], $0xffff;
	vm7 =	veq.s32 v29, $0x0;
	v27 =	vor.u32 v37, v27  }
0x10f: {  	v36 =	vsel vm7, $0x0, v2;
	v34 =	vld.idx.msk [tilespmem:v24+s2+$0x0], $0xffff  }
0x110: {  	v26 =	vld.idx.msk [tilespmem:v26+s10+$0x0], $0xffff;
	v28 =	vadd.f32 v36, v28;
	v29 =	vadd.s32 s14, v8  }
0x111: {  	v53 =	vsel vm8, $0x0, v2;
	vm14 =	veq.s32 v21, $0x0;
	v21 =	vld [tilespmem:$0x1FE00];
	v29 =	vand.u32 $0xFFF8, v29  }
0x112: {  	v28 =	vadd.f32 v53, v28;
	vm15 =	veq.s32 v23, $0x0;
	v23 =	vld [tilespmem:$0x1FE10];
	v29 =	vor.u32 v38, v29  }
0x113: {  	v18 =	vadd.f32 v25, v18;
	v36 =	vsel vm9, $0x0, v2;
	v19 =	vld.idx.msk [tilespmem:v27+s2+$0x0], $0xffff  }
0x114: {  	v28 =	vadd.f32 v36, v28;
	v56 =	vld.idx.msk [tilespmem:v22+s2+$0x0], $0xffff;
	vm10 =	veq.s32 v34, $0x0  }
0x115: {  	v18 =	vadd.f32 v26, v18;
	v24 =	vld.idx.msk [tilespmem:v24+s10+$0x0], $0xffff;
	v20 =	vsel vm10, $0x0, v2  }
0x116: {  	v53 =	vadd.s32 s14, v55;
	v20 =	vadd.f32 v20, v28;
	v28 =	vld [tilespmem:$0x1FDD0]  }
0x117: {  	v18 =	vadd.f32 v30, v18;
	v33 =	vand.u32 $0xFFF8, v53;
	v55 =	vld.idx.msk [tilespmem:v29+s2+$0x0], $0xffff  }
0x118: {  	v33 =	vor.u32 v41, v33;
	v21 =	vadd.s32 s14, v21;
	vm12 =	veq.s32 v19, $0x0;
	v19 =	vld [tilespmem:$0x1FDE0]  }
0x119: {  	v21 =	vand.u32 $0xFFF8, v21;
	v23 =	vadd.s32 s14, v23;
	vm11 =	veq.s32 v56, $0x0  }
0x11a: {  	v21 =	vor.u32 v37, v21;
	v23 =	vand.u32 $0xFFF8, v23;
	v22 =	vld.idx.msk [tilespmem:v22+s10+$0x0], $0xffff;
	v35 =	vsel vm11, $0x0, v2  }
0x11b: {  	v23 =	vor.u32 v38, v23;
	v28 =	vadd.s32 s14, v28;
	v20 =	vadd.f32 v35, v20  }
0x11c: {  	v5 =	vld [tilespmem:$0x1FFD0];
	v18 =	vadd.f32 v24, v18;
	v28 =	vand.u32 $0xFFF8, v28;
	v56 =	vsel vm12, $0x0, v2  }
0x11d: {  	v27 =	vld.idx.msk [tilespmem:v27+s10+$0x0], $0xffff;
	v20 =	vadd.f32 v56, v20;
	v19 =	vadd.s32 s14, v19;
	vm13 =	veq.s32 v55, $0x0  }
0x11e: {  	v36 =	vld.idx.msk [tilespmem:v33+s2+$0x0], $0xffff;
	v28 =	vor.u32 v43, v28;
	v19 =	vand.u32 $0xFFF8, v19;
	v25 =	vsel vm13, $0x0, v2  }
0x11f: {  	v18 =	vadd.f32 v22, v18;
	v22 =	vld.idx.msk [tilespmem:v21+s2+$0x0], $0xffff;
	v19 =	vor.u32 v1, v19;
	v20 =	vadd.f32 v25, v20  }
0x120: {  	v3 =	vand.u32 $0xFFF8, v3;
	v0 =	vld [tilespmem:$0x1FFF0];
	v58 =	vadd.s32 s14, v54;
	v53 =	vsel vm14, $0x0, v2  }
0x121: {  	v3 =	vor.u32 v1, v3;
	v7 =	vld [tilespmem:$0x1FFC0];
	v35 =	vand.u32 $0xFFF8, v58;
	v20 =	vadd.f32 v53, v20  }
0x122: {  	v54 =	vsel vm15, $0x0, v2;
	v18 =	vadd.f32 v27, v18;
	v27 =	vld.idx.msk [tilespmem:v23+s2+$0x0], $0xffff;
	v25 =	vor.u32 v4, v35  }
0x123: {  	v5 =	vadd.s32 s14, v5;
	vm4 =	veq.s32 v36, $0x0;
	v26 =	vld.idx.msk [tilespmem:v28+s2+$0x0], $0xffff;
	v20 =	vadd.f32 v54, v20  }
0x124: {  	v24 =	vsel vm4, $0x0, v2;
	vm8 =	veq.s32 v22, $0x0;
	v22 =	vadd.s32 s14, v61;
	v30 =	vld.idx.msk [tilespmem:v19+s2+$0x0], $0xffff  }
0x125: {  	v0 =	vadd.s32 s14, v0;
	v22 =	vand.u32 $0xFFF8, v22;
	v20 =	vadd.f32 v24, v20;
	v24 =	vld [tilespmem:$0x1FE30]  }
0x126: {  	v31 =	vld.idx.msk [tilespmem:v31+s10+$0x0], $0xffff;
	v61 =	vsel vm8, $0x0, v2;
	v22 =	vor.u32 v1, v22;
	v55 =	vadd.s32 s14, v57  }
0x127: {  	vm9 =	veq.s32 v27, $0x0;
	v27 =	vadd.s32 s14, v62;
	v35 =	vand.u32 $0xFFF8, v55;
	v56 =	vld.idx.msk [tilespmem:v25+s2+$0x0], $0xffff  }
0x128: {  	v36 =	vsel vm9, $0x0, v2;
	vm5 =	veq.s32 v26, $0x0;
	v26 =	vld.idx.msk [tilespmem:v29+s10+$0x0], $0xffff;
	v29 =	vor.u32 v39, v35  }
0x129: {  	v32 =	vld.idx.msk [tilespmem:v32+s10+$0x0], $0xffff;
	v57 =	vsel vm5, $0x0, v2;
	vm6 =	veq.s32 v30, $0x0;
	v30 =	vadd.s32 s14, v59  }
0x12a: {  	v8 =	vld [tilespmem:$0x1FF70];
	v20 =	vadd.f32 v57, v20;
	v24 =	vadd.s32 s14, v24;
	v30 =	vand.u32 $0xFFF8, v30  }
0x12b: {  	v21 =	vld.idx.msk [tilespmem:v21+s10+$0x0], $0xffff;
	v58 =	vsel vm6, $0x0, v2;
	v24 =	vand.u32 $0xFFF8, v24;
	v30 =	vor.u32 v41, v30  }
0x12c: {  	v23 =	vld.idx.msk [tilespmem:v23+s10+$0x0], $0xffff;
	vm7 =	veq.s32 v56, $0x0;
	v20 =	vadd.f32 v58, v20;
	v24 =	vor.u32 v40, v24  }
0x12d: {  	v18 =	vadd.f32 v26, v18;
	v59 =	vadd.s32 s14, v60;
	v60 =	vld.idx.msk [tilespmem:v29+s2+$0x0], $0xffff;
	v26 =	vsel vm7, $0x0, v2  }
0x12e: {  	v27 =	vand.u32 $0xFFF8, v27;
	v35 =	vand.u32 $0xFFF8, v59;
	v20 =	vadd.f32 v26, v20;
	v26 =	vld.idx.msk [tilespmem:v33+s10+$0x0], $0xffff  }
0x12f: {  	v28 =	vld.idx.msk [tilespmem:v28+s10+$0x0], $0xffff;
	v27 =	vor.u32 v4, v27;
	v18 =	vadd.f32 v31, v18;
	v33 =	vor.u32 v43, v35  }
0x130: {  	v54 =	vadd.s32 s14, v63;
	v63 =	vadd.s32 s14, v48;
	v20 =	vadd.f32 v61, v20;
	v53 =	vld.idx.msk [tilespmem:v30+s2+$0x0], $0xffff  }
0x131: {  	v57 =	vadd.s32 s14, v51;
	v18 =	vadd.f32 v32, v18;
	v59 =	vadd.s32 s14, v50;
	v31 =	vld.idx.msk [tilespmem:v24+s2+$0x0], $0xffff  }
0x132: {  	v19 =	vld.idx.msk [tilespmem:v19+s10+$0x0], $0xffff;
	v32 =	vand.u32 $0xFFF8, v57;
	vm10 =	veq.s32 v60, $0x0;
	v20 =	vadd.f32 v36, v20  }
0x133: {  	v25 =	vld.idx.msk [tilespmem:v25+s10+$0x0], $0xffff;
	v57 =	vadd.s32 s14, v14;
	v18 =	vadd.f32 v26, v18;
	v26 =	vsel vm10, $0x0, v2  }
0x134: {  	v32 =	vor.u32 v39, v32;
	v55 =	vld.idx.msk [tilespmem:v33+s2+$0x0], $0xffff;
	v20 =	vadd.f32 v26, v20;
	v26 =	vadd.s32 s14, v52  }
0x135: {  	v35 =	vand.u32 $0xFFF8, v54;
	v18 =	vadd.f32 v28, v18;
	v28 =	vld.idx.msk [tilespmem:v22+s2+$0x0], $0xffff;
	v26 =	vand.u32 $0xFFF8, v26  }
0x136: {  	v30 =	vld.idx.msk [tilespmem:v30+s10+$0x0], $0xffff;
	vm12 =	veq.s32 v53, $0x0;
	v26 =	vor.u32 v38, v26;
	vm11 =	veq.s32 v31, $0x0  }
0x137: {  	v31 =	vor.u32 v37, v35;
	v18 =	vadd.f32 v19, v18;
	v19 =	vld.idx.msk [tilespmem:v27+s2+$0x0], $0xffff;
	v56 =	vsel vm11, $0x0, v2  }
0x138: {  	v24 =	vld.idx.msk [tilespmem:v24+s10+$0x0], $0xffff;
	v36 =	vadd.s32 s14, v45;
	v58 =	vsel vm12, $0x0, v2;
	v20 =	vadd.f32 v56, v20  }
0x139: {  	v33 =	vld.idx.msk [tilespmem:v33+s10+$0x0], $0xffff;
	v35 =	vand.u32 $0xFFF8, v59;
	vm13 =	veq.s32 v55, $0x0;
	v18 =	vadd.f32 v25, v18  }
0x13a: {  	vm14 =	veq.s32 v28, $0x0;
	v28 =	vld.idx.msk [tilespmem:v29+s10+$0x0], $0xffff;
	v29 =	vor.u32 v40, v35;
	v20 =	vadd.f32 v58, v20  }
0x13b: {  	v25 =	vsel vm13, $0x0, v2;
	v61 =	vsel vm14, $0x0, v2;
	v18 =	vadd.f32 v21, v18;
	v21 =	vld.idx.msk [tilespmem:v26+s2+$0x0], $0xffff  }
0x13c: {  	v60 =	vld.idx.msk [tilespmem:v31+s2+$0x0], $0xffff;
	vm15 =	veq.s32 v19, $0x0;
	v19 =	vadd.s32 s14, v47;
	v20 =	vadd.f32 v25, v20  }
0x13d: {  	v25 =	vadd.s32 s14, v49;
	v62 =	vsel vm15, $0x0, v2;
	v18 =	vadd.f32 v23, v18;
	v23 =	vld.idx.msk [tilespmem:v32+s2+$0x0], $0xffff  }
0x13e: {  	v22 =	vld.idx.msk [tilespmem:v22+s10+$0x0], $0xffff;
	v19 =	vand.u32 $0xFFF8, v19;
	v25 =	vand.u32 $0xFFF8, v25;
	v20 =	vadd.f32 v61, v20  }
0x13f: {  	v19 =	vor.u32 v43, v19;
	v25 =	vor.u32 v41, v25;
	v18 =	vadd.f32 v28, v18;
	v28 =	vld.idx.msk [tilespmem:v29+s2+$0x0], $0xffff  }
0x140: {  	v27 =	vld.idx.msk [tilespmem:v27+s10+$0x0], $0xffff;
	vm5 =	veq.s32 v21, $0x0;
	v21 =	vand.u32 $0xFFF8, v63;
	v20 =	vadd.f32 v62, v20  }
0x141: {  	v26 =	vld.idx.msk [tilespmem:v26+s10+$0x0], $0xffff;
	vm4 =	veq.s32 v60, $0x0;
	v18 =	vadd.f32 v24, v18;
	v24 =	vsel vm5, $0x0, v2  }
0x142: {  	v31 =	vld.idx.msk [tilespmem:v31+s10+$0x0], $0xffff;
	v21 =	vor.u32 v1, v21;
	v34 =	vsel vm4, $0x0, v2;
	vm6 =	veq.s32 v23, $0x0  }
0x143: {  	v32 =	vld.idx.msk [tilespmem:v32+s10+$0x0], $0xffff;
	v23 =	vand.u32 $0xFFF8, v36;
	v20 =	vadd.f32 v34, v20;
	v18 =	vadd.f32 v30, v18  }
0x144: {  	v29 =	vld.idx.msk [tilespmem:v29+s10+$0x0], $0xffff;
	v30 =	vadd.s32 s14, v44;
	v23 =	vor.u32 v4, v23;
	vm7 =	veq.s32 v28, $0x0  }
0x145: {  	v53 =	vld.idx.msk [tilespmem:v25+s2+$0x0], $0xffff;
	v28 =	vadd.s32 s14, v16;
	v30 =	vand.u32 $0xFFF8, v30;
	v20 =	vadd.f32 v24, v20  }
0x146: {  	v54 =	vld.idx.msk [tilespmem:v19+s2+$0x0], $0xffff;
	v24 =	vsel vm6, $0x0, v2;
	v18 =	vadd.f32 v33, v18;
	v30 =	vor.u32 v40, v30  }
0x147: {  	v19 =	vld.idx.msk [tilespmem:v19+s10+$0x0], $0xffff;
	v28 =	vand.u32 $0xFFF8, v28;
	v20 =	vadd.f32 v24, v20;
	v24 =	vadd.s32 s14, v42  }
0x148: {  	v35 =	vand.u32 $0xFFF8, v57;
	v25 =	vld.idx.msk [tilespmem:v25+s10+$0x0], $0xffff;
	v28 =	vor.u32 v38, v28;
	v24 =	vand.u32 $0xFFF8, v24  }
0x149: {  	v55 =	vsel vm7, $0x0, v2;
	v56 =	vld.idx.msk [tilespmem:v21+s2+$0x0], $0xffff;
	v18 =	vadd.f32 v22, v18;
	v24 =	vor.u32 v37, v24  }
0x14a: {  	v58 =	vor.u32 v39, v35;
	v21 =	vld.idx.msk [tilespmem:v21+s10+$0x0], $0xffff;
	v20 =	vadd.f32 v55, v20;
	vm8 =	veq.s32 v53, $0x0  }
0x14b: {  	v15 =	vand.u32 $0xFFF8, v15;
	v18 =	vadd.f32 v27, v18;
	v22 =	vsel vm8, $0x0, v2;
	v62 =	vld.idx.msk [tilespmem:v30+s2+$0x0], $0xffff  }
0x14c: {  	v15 =	vor.u32 v37, v15;
	v17 =	vand.u32 $0xFFF8, v17;
	v20 =	vadd.f32 v22, v20;
	v22 =	vld.idx.msk [tilespmem:v23+s2+$0x0], $0xffff  }
0x14d: {  	vm9 =	veq.s32 v54, $0x0;
	v27 =	vadd.s32 s14, v12;
	v18 =	vadd.f32 v31, v18;
	v61 =	vld.idx.msk [tilespmem:v28+s2+$0x0], $0xffff  }
0x14e: {  	v17 =	vor.u32 v43, v17;
	v59 =	vsel vm9, $0x0, v2;
	v27 =	vand.u32 $0xFFF8, v27;
	v60 =	vld.idx.msk [tilespmem:v24+s2+$0x0], $0xffff  }
0x14f: {  	vm10 =	veq.s32 v56, $0x0;
	v20 =	vadd.f32 v59, v20;
	v18 =	vadd.f32 v26, v18;
	v26 =	vld.idx.msk [tilespmem:v58+s2+$0x0], $0xffff  }
0x150: {  	v13 =	vand.u32 $0xFFF8, v13;
	v27 =	vor.u32 v41, v27;
	v23 =	vld.idx.msk [tilespmem:v23+s10+$0x0], $0xffff;
	v31 =	vsel vm10, $0x0, v2  }
0x151: {  	v28 =	vld.idx.msk [tilespmem:v28+s10+$0x0], $0xffff;
	v20 =	vadd.f32 v31, v20;
	vm11 =	veq.s32 v22, $0x0;
	v22 =	vadd.s32 s14, v8  }
0x152: {  	v24 =	vld.idx.msk [tilespmem:v24+s10+$0x0], $0xffff;
	v18 =	vadd.f32 v32, v18;
	v31 =	vsel vm11, $0x0, v2;
	v22 =	vand.u32 $0xFFF8, v22  }
0x153: {  	v20 =	vadd.f32 v31, v20;
	v22 =	vor.u32 v1, v22;
	v1 =	vld [tilespmem:$0x1FFE0];
	vm12 =	veq.s32 v60, $0x0  }
0x154: {  	vm13 =	veq.s32 v61, $0x0;
	vm14 =	veq.s32 v26, $0x0;
	v26 =	vld.idx.msk [tilespmem:v17+s2+$0x0], $0xffff;
	v35 =	vsel vm12, $0x0, v2  }
0x155: {  	v63 =	vld.idx.msk [tilespmem:v27+s2+$0x0], $0xffff;
	v18 =	vadd.f32 v29, v18;
	v31 =	vadd.s32 s14, v10;
	v20 =	vadd.f32 v35, v20  }
0x156: {  	v7 =	vadd.s32 s14, v7;
	v27 =	vld.idx.msk [tilespmem:v27+s10+$0x0], $0xffff;
	v29 =	vsel vm13, $0x0, v2;
	v31 =	vand.u32 $0xFFF8, v31  }
0x157: {  	v17 =	vld.idx.msk [tilespmem:v17+s10+$0x0], $0xffff;
	s14 =	simm.s32 $0x640;
	v18 =	vadd.f32 v25, v18;
	v31 =	vor.u32 v4, v31;
	v20 =	vadd.f32 v29, v20  }
0x158: {  	vm15 =	veq.s32 v62, $0x0;
	v25 =	vsel vm14, $0x0, v2;
	v60 =	vadd.s32 s14, v1;
	v1 =	vld [tilespmem:$0x1FFF0]  }
0x159: {  	v18 =	vadd.f32 v19, v18;
	vm5 =	veq.s32 v26, $0x0;
	v26 =	vld.idx.msk [tilespmem:v58+s10+$0x0], $0xffff;
	v20 =	vadd.f32 v25, v20  }
0x15a: {  	v11 =	vand.u32 $0xFFF8, v11;
	v13 =	vor.u32 v38, v13;
	v19 =	vsel vm15, $0x0, v2;
	v25 =	vld.idx.msk [tilespmem:v22+s2+$0x0], $0xffff  }
0x15b: {  	vm4 =	veq.s32 v63, $0x0;
	v18 =	vadd.f32 v21, v18;
	v22 =	vld.idx.msk [tilespmem:v22+s10+$0x0], $0xffff;
	v19 =	vadd.f32 v19, v20  }
0x15c: {  	v11 =	vor.u32 v39, v11;
	v9 =	vand.u32 $0xFFF8, v9;
	v21 =	vsel vm4, $0x0, v2;
	v20 =	vld.idx.msk [tilespmem:v31+s2+$0x0], $0xffff  }
0x15d: {  	v18 =	vadd.f32 v23, v18;
	v63 =	vadd.s32 s14, v1;
	v1 =	vld [tilespmem:$0x1FFD0];
	v19 =	vadd.f32 v21, v19  }
0x15e: {  	v9 =	vor.u32 v40, v9;
	v7 =	vand.u32 $0xFFF8, v7;
	v23 =	vsel vm5, $0x0, v2;
	v21 =	vld.idx.msk [tilespmem:v15+s2+$0x0], $0xffff  }
0x15f: {  	v18 =	vadd.f32 v24, v18;
	vm6 =	veq.s32 v25, $0x0;
	v25 =	vld.idx.msk [tilespmem:v30+s10+$0x0], $0xffff;
	v19 =	vadd.f32 v23, v19  }
0x160: {  	v5 =	vand.u32 $0xFFF8, v5;
	v7 =	vor.u32 v41, v7;
	v23 =	vld.idx.msk [tilespmem:v13+s2+$0x0], $0xffff;
	v24 =	vsel vm6, $0x0, v2  }
0x161: {  	v18 =	vadd.f32 v28, v18;
	v15 =	vld.idx.msk [tilespmem:v15+s10+$0x0], $0xffff;
	vm7 =	veq.s32 v20, $0x0;
	v19 =	vadd.f32 v24, v19  }
0x162: {  	v5 =	vor.u32 v43, v5;
	v20 =	vld.idx.msk [tilespmem:v11+s2+$0x0], $0xffff;
	v24 =	vsel vm7, $0x0, v2  }
0x163: {  	v18 =	vadd.f32 v26, v18;
	v13 =	vld.idx.msk [tilespmem:v13+s10+$0x0], $0xffff;
	vm8 =	veq.s32 v21, $0x0;
	v19 =	vadd.f32 v24, v19  }
0x164: {  	v0 =	vand.u32 $0xFFF8, v0;
	v21 =	vld.idx.msk [tilespmem:v9+s2+$0x0], $0xffff;
	v24 =	vsel vm8, $0x0, v2  }
0x165: {  	v18 =	vadd.f32 v25, v18;
	vm9 =	veq.s32 v23, $0x0;
	v23 =	vld.idx.msk [tilespmem:v7+s2+$0x0], $0xffff;
	v19 =	vadd.f32 v24, v19  }
0x166: {  	v61 =	vadd.s32 s14, v1;
	v1 =	vld [tilespmem:$0x1FFB0];
	v25 =	vor.u32 v4, v0;
	v24 =	vsel vm9, $0x0, v2  }
0x167: {  	vm10 =	veq.s32 v20, $0x0;
	v18 =	vadd.f32 v27, v18;
	v0 =	vadd.f32 v24, v19;
	v19 =	vld.idx.msk [tilespmem:v5+s2+$0x0], $0xffff  }
0x168: {  	v20 =	vsel vm10, $0x0, v2;
	v24 =	vld.idx.msk [tilespmem:v31+s10+$0x0], $0xffff  }
0x169: {  	vm11 =	veq.s32 v21, $0x0;
	v17 =	vadd.f32 v17, v18;
	v0 =	vadd.f32 v20, v0;
	v20 =	vld.idx.msk [tilespmem:v3+s2+$0x0], $0xffff  }
0x16a: {  	v18 =	vsel vm11, $0x0, v2;
	vm12 =	veq.s32 v23, $0x0;
	v23 =	vld.idx.msk [tilespmem:v3+s10+$0x0], $0xffff  }
0x16b: {  	v17 =	vadd.f32 v22, v17;
	v3 =	vadd.s32 s14, v1;
	v1 =	vld [tilespmem:$0x1FFC0];
	v0 =	vadd.f32 v18, v0  }
0x16c: {  	v21 =	vsel vm12, $0x0, v2;
	v18 =	vld.idx.msk [tilespmem:v25+s2+$0x0], $0xffff  }
0x16d: {  	vm13 =	veq.s32 v19, $0x0;
	v17 =	vadd.f32 v24, v17;
	v0 =	vadd.f32 v21, v0  }
0x16e: {  	v11 =	vld.idx.msk [tilespmem:v11+s10+$0x0], $0xffff;
	v19 =	vsel vm13, $0x0, v2  }
0x16f: {  	v9 =	vld.idx.msk [tilespmem:v9+s10+$0x0], $0xffff;
	vm14 =	veq.s32 v20, $0x0;
	v15 =	vadd.f32 v15, v17;
	v0 =	vadd.f32 v19, v0  }
0x170: {  	v62 =	vadd.s32 s14, v1;
	v1 =	vld [tilespmem:$0x1FF80];
	v17 =	vsel vm14, $0x0, v2  }
0x171: {  	vm15 =	veq.s32 v18, $0x0;
	v13 =	vadd.f32 v13, v15;
	v0 =	vadd.f32 v17, v0  }
0x172: {  	v15 =	vsel vm15, $0x0, v2  }
0x173: {  	v17 =	vld.idx.msk [tilespmem:v7+s10+$0x0], $0xffff;
	v7 =	vadd.f32 v11, v13;
	v0 =	vadd.f32 v15, v0;
	_ =	sdelay $0x1  }
0x174: {  	v9 =	vadd.f32 v9, v7;
	v7 =	vadd.s32 s14, v1;
	v1 =	vld [tilespmem:$0x1FF90];
	v0 =	vmax.f32 v0, $1.000000000e+00  }
0x175: {  	v18 =	vld.idx.msk [tilespmem:v5+s10+$0x0], $0xffff;
	(erf) = vrcp.f32 v0  }
0x176: {  	v29 =	vadd.s32 s14, v46  }
0x177: {  	v29 =	vand.u32 $0xFFF8, v29;
	v30 =	vadd.s32 s14, v6;
	v27 =	vld.idx.msk [tilespmem:v25+s10+$0x0], $0xffff  }
0x178: {  	v26 =	vadd.s32 s14, v51;
	v22 =	vadd.s32 s14, v48;
	v0 =	vld [tilespmem:$0x1FFA0];
	v19 =	vadd.f32 v17, v9  }
0x179: {  	v25 =	vadd.s32 s14, v50;
	v21 =	vadd.s32 s14, v45;
	v5 =	vadd.s32 s14, v1;
	v1 =	vld [tilespmem:$0x1FF60]  }
0x17a: {  	v20 =	vadd.s32 s14, v42;
	v11 =	vadd.s32 s14, v8;
	v24 =	vadd.f32 v18, v19  }
0x17b: {  	v15 =	vadd.s32 s14, v12;
	v9 =	vadd.s32 s14, v10;
	v17 =	vadd.s32 s14, v44  }
0x17c: {  	v19 =	vadd.s32 s14, v16;
	v18 =	vadd.s32 s14, v14;
	v28 =	vadd.f32 v23, v24  }
0x17d: {  	v24 =	vadd.s32 s14, v49;
	v23 =	vadd.s32 s14, v47;
	v0 =	vadd.s32 s14, v0  }
0x17e: {  	s16 =	simm.s32 $0x960;
	s15 =	simm.s32 $0xC800;
	v28 =	vadd.f32 v27, v28;
	v27 =	vadd.s32 s14, v52;
	v13 =	vadd.s32 s14, v1;
	v31 =	vpop (erf)  }
.LBB2_2:
0x17f: {  	v4 =	vld [tilespmem:$0x1FC80]  }
0x180: {  	v1 =	vld [tilespmem:$0x1FE80];
	_ =	sdelay $0x2  }
0x181: {  	[tilespmem:$0x1FC60] =	vst v60;
	v60 =	vld [tilespmem:$0x1FC90]  }
0x182: {  	v8 =	vld [tilespmem:$0x1FCA0];
	v37 =	vor.u32 v4, v29  }
0x183: {  	v29 =	vand.u32 $0xFFF8, v30;
	v30 =	vmul.f32 v31, v28;
	v28 =	vadd.s32 s14, v1;
	v1 =	vld [tilespmem:$0x1FE70];
	_ =	sdelay $0x3  }
0x184: {  	v38 =	vor.u32 v60, v29;
	v29 =	vadd.s32 s14, v8  }
0x185: {  	v31 =	vand.u32 $0xFFF8, v29;
	v29 =	vadd.s32 s14, v1;
	v1 =	vld [tilespmem:$0x1FC70];
	_ =	sdelay $0x4  }
0x186: {  	v33 =	vadd.f32 v30, v1;
	v1 =	vld [tilespmem:$0x1FE60];
	_ =	sdelay $0x4  }
0x187: {  	v30 =	vadd.s32 s14, v1;
	v1 =	vld [tilespmem:$0x1FE40];
	_ =	sdelay $0x2  }
0x188: {  	v10 =	vld [tilespmem:$0x1FCB0]  }
0x189: {  	v8 =	vld [tilespmem:$0x1FCC0]  }
0x18a: {  	v32 =	vadd.s32 s14, v1;
	v1 =	vld [tilespmem:$0x1FE50];
	_ =	sdelay $0x3  }
0x18b: {  	v39 =	vor.u32 v10, v31;
	v31 =	vadd.s32 s14, v8  }
0x18c: {  	v34 =	vand.u32 $0xFFF8, v31;
	v31 =	vadd.s32 s14, v1;
	v1 =	vld [tilespmem:$0x1FE30];
	_ =	sdelay $0x3  }
0x18d: {  	s15 =	sadd.s32 $0x10, s15  }
0x18e: {  	[tilespmem:s15+$0x0] =	vst v33;
	v33 =	vadd.s32 s14, v1;
	v1 =	vld [tilespmem:$0x1FE10];
	_ =	sdelay $0x3  }
0x18f: {  	v12 =	vld [tilespmem:$0x1FCD0]  }
0x190: {  	v35 =	vadd.s32 s14, v1;
	v1 =	vld [tilespmem:$0x1FE20];
	_ =	sdelay $0x2  }
0x191: {  	v8 =	vld [tilespmem:$0x1FCE0]  }
0x192: {  	v14 =	vld [tilespmem:$0x1FCF0]  }
0x193: {  	v41 =	vor.u32 v12, v34;
	v34 =	vadd.s32 s14, v1;
	v1 =	vld [tilespmem:$0x1FE00];
	_ =	sdelay $0x2  }
0x194: {  	v56 =	vadd.s32 s14, v8  }
0x195: {  	v8 =	vld [tilespmem:$0x1FD00];
	v36 =	vand.u32 $0xFFF8, v56  }
0x196: {  	v43 =	vor.u32 v14, v36;
	v36 =	vadd.s32 s14, v1;
	v1 =	vld [tilespmem:$0x1FDE0];
	_ =	sdelay $0x4  }
0x197: {  	v44 =	vadd.s32 s14, v8;
	v8 =	vmovc v6;
	v6 =	vmov v46;
	v46 =	vadd.s32 s14, v1;
	v1 =	vld [tilespmem:$0x1FDF0];
	_ =	sdelay $0x4  }
0x198: {  	v47 =	vadd.s32 s14, v1;
	v1 =	vld [tilespmem:$0x1FDD0];
	_ =	sdelay $0x1  }
0x199: {  	v16 =	vld [tilespmem:$0x1FD10]  }
0x19a: {  	v48 =	vld [tilespmem:$0x1FD20]  }
0x19b: {  	v53 =	vld [tilespmem:$0x1FD40]  }
0x19c: {  	v49 =	vadd.s32 s14, v1;
	v1 =	vld [tilespmem:$0x1FDB0]  }
0x19d: {  	v54 =	vld [tilespmem:$0x1FD60]  }
0x19e: {  	[tilespmem:$0x1FC50] =	vst v61;
	v61 =	vld [tilespmem:$0x1FD50]  }
0x19f: {  	v59 =	vld [tilespmem:$0x1FDA0]  }
0x1a0: {  	v40 =	vld.idx.msk [tilespmem:v37+s2+$0x0], $0xffff  }
0x1a1: {  	v51 =	vadd.s32 s14, v1;
	v1 =	vld [tilespmem:$0x1FDC0]  }
0x1a2: {  	v42 =	vld.idx.msk [tilespmem:v38+s2+$0x0], $0xffff  }
0x1a3: {  	v56 =	vld [tilespmem:$0x1FD70]  }
0x1a4: {  	v45 =	vld.idx.msk [tilespmem:v39+s2+$0x0], $0xffff;
	v44 =	vand.u32 $0xFFF8, v44  }
0x1a5: {  	v48 =	vadd.s32 s14, v48;
	v50 =	vld.idx.msk [tilespmem:v41+s2+$0x0], $0xffff;
	v44 =	vor.u32 v16, v44  }
0x1a6: {  	v53 =	vadd.s32 s14, v53;
	v54 =	vadd.s32 s14, v54;
	v52 =	vadd.s32 s14, v1;
	v1 =	vld [tilespmem:$0x1FD30]  }
0x1a7: {  	v57 =	vand.u32 $0xFFF8, v53;
	vm0 =	veq.s32 v40, $0x0;
	vm1 =	veq.s32 v42, $0x0;
	v40 =	vld.idx.msk [tilespmem:v43+s2+$0x0], $0xffff  }
0x1a8: {  	v42 =	vor.u32 v61, v57;
	v57 =	vld [tilespmem:$0x1FD80];
	v58 =	vsel vm0, $0x0, v2;
	v55 =	vsel vm1, $0x0, v2  }
0x1a9: {  	v59 =	vadd.s32 s14, v59;
	vm4 =	veq.s32 v45, $0x0;
	v53 =	vadd.f32 v55, v58;
	v58 =	vld [tilespmem:$0x1FD90]  }
0x1aa: {  	v48 =	vand.u32 $0xFFF8, v48;
	v56 =	vadd.s32 s14, v56;
	v55 =	vsel vm4, $0x0, v2;
	v45 =	vld.idx.msk [tilespmem:v44+s2+$0x0], $0xffff  }
0x1ab: {  	v37 =	vld.idx.msk [tilespmem:v37+s10+$0x0], $0xffff;
	vm5 =	veq.s32 v50, $0x0;
	v53 =	vadd.f32 v55, v53;
	v48 =	vor.u32 v1, v48  }
0x1ac: {  	v54 =	vand.u32 $0xFFF8, v54;
	v55 =	vand.u32 $0xFFF8, v56;
	v56 =	vsel vm5, $0x0, v2  }
0x1ad: {  	v57 =	vadd.s32 s14, v57;
	vm6 =	veq.s32 v40, $0x0;
	v53 =	vadd.f32 v56, v53  }
0x1ae: {  	v54 =	vor.u32 v4, v54;
	v38 =	vld.idx.msk [tilespmem:v38+s10+$0x0], $0xffff;
	v56 =	vand.u32 $0xFFF8, v57;
	v57 =	vsel vm6, $0x0, v2  }
0x1af: {  	v39 =	vld.idx.msk [tilespmem:v39+s10+$0x0], $0xffff;
	v58 =	vadd.s32 s14, v58;
	v53 =	vadd.f32 v57, v53;
	vm7 =	veq.s32 v45, $0x0  }
0x1b0: {  	v37 =	vadd.f32 $0.0e+00, v37;
	v57 =	vand.u32 $0xFFF8, v58;
	v58 =	vsel vm7, $0x0, v2;
	v50 =	vld.idx.msk [tilespmem:v48+s2+$0x0], $0xffff  }
0x1b1: {  	v55 =	vor.u32 v60, v55;
	v53 =	vadd.f32 v58, v53;
	v58 =	vand.u32 $0xFFF8, v59  }
0x1b2: {  	v40 =	vld.idx.msk [tilespmem:v42+s2+$0x0], $0xffff;
	v58 =	vor.u32 v14, v58  }
0x1b3: {  	v41 =	vld.idx.msk [tilespmem:v41+s10+$0x0], $0xffff;
	v37 =	vadd.f32 v38, v37;
	v56 =	vor.u32 v10, v56  }
0x1b4: {  	v45 =	vld.idx.msk [tilespmem:v54+s2+$0x0], $0xffff  }
0x1b5: {  	v37 =	vadd.f32 v39, v37;
	v39 =	vld.idx.msk [tilespmem:v44+s10+$0x0], $0xffff;
	v57 =	vor.u32 v12, v57;
	vm8 =	veq.s32 v50, $0x0  }
0x1b6: {  	v49 =	vand.u32 $0xFFF8, v49;
	v50 =	vld.idx.msk [tilespmem:v55+s2+$0x0], $0xffff;
	v59 =	vsel vm8, $0x0, v2  }
0x1b7: {  	vm9 =	veq.s32 v40, $0x0;
	v44 =	vld.idx.msk [tilespmem:v58+s2+$0x0], $0xffff;
	v49 =	vor.u32 v61, v49;
	v53 =	vadd.f32 v59, v53  }
0x1b8: {  	v40 =	vld.idx.msk [tilespmem:v56+s2+$0x0], $0xffff;
	v51 =	vand.u32 $0xFFF8, v51;
	v59 =	vsel vm9, $0x0, v2  }
0x1b9: {  	v38 =	vld.idx.msk [tilespmem:v43+s10+$0x0], $0xffff;
	vm10 =	veq.s32 v45, $0x0;
	v51 =	vor.u32 v16, v51;
	v43 =	vadd.f32 v59, v53  }
0x1ba: {  	v37 =	vadd.f32 v41, v37;
	v45 =	vld.idx.msk [tilespmem:v57+s2+$0x0], $0xffff;
	v52 =	vand.u32 $0xFFF8, v52;
	v59 =	vsel vm10, $0x0, v2  }
0x1bb: {  	v52 =	vor.u32 v1, v52;
	vm11 =	veq.s32 v50, $0x0;
	v43 =	vadd.f32 v59, v43  }
0x1bc: {  	vm14 =	veq.s32 v44, $0x0;
	v36 =	vand.u32 $0xFFF8, v36;
	v44 =	vld.idx.msk [tilespmem:v49+s2+$0x0], $0xffff;
	v59 =	vsel vm11, $0x0, v2  }
0x1bd: {  	vm12 =	veq.s32 v40, $0x0;
	v36 =	vor.u32 v10, v36;
	v41 =	vld.idx.msk [tilespmem:v48+s10+$0x0], $0xffff;
	v43 =	vadd.f32 v59, v43  }
0x1be: {  	v37 =	vadd.f32 v38, v37;
	v46 =	vand.u32 $0xFFF8, v46;
	v40 =	vld.idx.msk [tilespmem:v51+s2+$0x0], $0xffff;
	v59 =	vsel vm12, $0x0, v2  }
0x1bf: {  	v38 =	vld.idx.msk [tilespmem:v42+s10+$0x0], $0xffff;
	vm13 =	veq.s32 v45, $0x0;
	v46 =	vor.u32 v4, v46;
	v42 =	vadd.f32 v59, v43  }
0x1c0: {  	v37 =	vadd.f32 v39, v37;
	v45 =	vand.u32 $0xFFF8, v47;
	v43 =	vld.idx.msk [tilespmem:v52+s2+$0x0], $0xffff;
	v59 =	vsel vm13, $0x0, v2  }
0x1c1: {  	v39 =	vld.idx.msk [tilespmem:v54+s10+$0x0], $0xffff;
	v45 =	vor.u32 v60, v45;
	v42 =	vadd.f32 v59, v42  }
0x1c2: {  	vm5 =	veq.s32 v44, $0x0;
	v44 =	vld.idx.msk [tilespmem:v36+s2+$0x0], $0xffff;
	v37 =	vadd.f32 v41, v37;
	v59 =	vsel vm14, $0x0, v2  }
0x1c3: {  	vm15 =	veq.s32 v40, $0x0;
	v41 =	vld.idx.msk [tilespmem:v55+s10+$0x0], $0xffff;
	v42 =	vadd.f32 v59, v42  }
0x1c4: {  	v35 =	vand.u32 $0xFFF8, v35;
	v40 =	vld.idx.msk [tilespmem:v46+s2+$0x0], $0xffff;
	v37 =	vadd.f32 v38, v37;
	v59 =	vsel vm15, $0x0, v2  }
0x1c5: {  	v35 =	vor.u32 v12, v35;
	v38 =	vld.idx.msk [tilespmem:v56+s10+$0x0], $0xffff;
	vm4 =	veq.s32 v43, $0x0;
	v42 =	vadd.f32 v59, v42  }
0x1c6: {  	v34 =	vand.u32 $0xFFF8, v34;
	v37 =	vadd.f32 v39, v37;
	v43 =	vld.idx.msk [tilespmem:v45+s2+$0x0], $0xffff;
	v59 =	vsel vm4, $0x0, v2  }
0x1c7: {  	v34 =	vor.u32 v14, v34;
	v39 =	vld.idx.msk [tilespmem:v57+s10+$0x0], $0xffff;
	v42 =	vadd.f32 v59, v42  }
0x1c8: {  	v33 =	vand.u32 $0xFFF8, v33;
	v37 =	vadd.f32 v41, v37;
	v41 =	vld.idx.msk [tilespmem:v58+s10+$0x0], $0xffff;
	v58 =	vsel vm5, $0x0, v2  }
0x1c9: {  	v33 =	vor.u32 v16, v33;
	vm6 =	veq.s32 v40, $0x0;
	v42 =	vadd.f32 v58, v42  }
0x1ca: {  	v32 =	vand.u32 $0xFFF8, v32;
	v40 =	vld.idx.msk [tilespmem:v35+s2+$0x0], $0xffff;
	v37 =	vadd.f32 v38, v37;
	v59 =	vsel vm6, $0x0, v2  }
0x1cb: {  	v32 =	vor.u32 v1, v32;
	v38 =	vld.idx.msk [tilespmem:v51+s10+$0x0], $0xffff;
	vm7 =	veq.s32 v43, $0x0;
	v42 =	vadd.f32 v59, v42  }
0x1cc: {  	v31 =	vand.u32 $0xFFF8, v31;
	v37 =	vadd.f32 v39, v37;
	v43 =	vld.idx.msk [tilespmem:v34+s2+$0x0], $0xffff;
	v58 =	vsel vm7, $0x0, v2  }
0x1cd: {  	v31 =	vor.u32 v61, v31;
	vm8 =	veq.s32 v44, $0x0;
	v39 =	vld.idx.msk [tilespmem:v52+s10+$0x0], $0xffff;
	v42 =	vadd.f32 v58, v42  }
0x1ce: {  	v30 =	vand.u32 $0xFFF8, v30;
	v44 =	vld.idx.msk [tilespmem:v33+s2+$0x0], $0xffff;
	v37 =	vadd.f32 v41, v37;
	v59 =	vsel vm8, $0x0, v2  }
0x1cf: {  	v30 =	vor.u32 v4, v30;
	vm9 =	veq.s32 v40, $0x0;
	v41 =	vld.idx.msk [tilespmem:v49+s10+$0x0], $0xffff;
	v42 =	vadd.f32 v59, v42  }
0x1d0: {  	v29 =	vand.u32 $0xFFF8, v29;
	v40 =	vld.idx.msk [tilespmem:v32+s2+$0x0], $0xffff;
	v37 =	vadd.f32 v38, v37;
	v58 =	vsel vm9, $0x0, v2  }
0x1d1: {  	v29 =	vor.u32 v60, v29;
	v38 =	vld.idx.msk [tilespmem:v46+s10+$0x0], $0xffff;
	vm10 =	veq.s32 v43, $0x0;
	v42 =	vadd.f32 v58, v42  }
0x1d2: {  	v28 =	vand.u32 $0xFFF8, v28;
	v37 =	vadd.f32 v39, v37;
	v43 =	vld.idx.msk [tilespmem:v31+s2+$0x0], $0xffff;
	v59 =	vsel vm10, $0x0, v2  }
0x1d3: {  	v28 =	vor.u32 v10, v28;
	vm11 =	veq.s32 v44, $0x0;
	v39 =	vld.idx.msk [tilespmem:v45+s10+$0x0], $0xffff;
	v42 =	vadd.f32 v59, v42  }
0x1d4: {  	v27 =	vand.u32 $0xFFF8, v27;
	v44 =	vld.idx.msk [tilespmem:v30+s2+$0x0], $0xffff;
	v45 =	vsel vm11, $0x0, v2;
	v37 =	vadd.f32 v41, v37  }
0x1d5: {  	v27 =	vor.u32 v12, v27;
	v36 =	vld.idx.msk [tilespmem:v36+s10+$0x0], $0xffff;
	vm12 =	veq.s32 v40, $0x0;
	v41 =	vadd.f32 v45, v42  }
0x1d6: {  	v26 =	vand.u32 $0xFFF8, v26;
	v47 =	vld.idx.msk [tilespmem:v29+s2+$0x0], $0xffff;
	v37 =	vadd.f32 v38, v37;
	v58 =	vsel vm12, $0x0, v2  }
0x1d7: {  	v26 =	vor.u32 v14, v26;
	v35 =	vld.idx.msk [tilespmem:v35+s10+$0x0], $0xffff;
	vm13 =	veq.s32 v43, $0x0;
	v38 =	vadd.f32 v58, v41  }
0x1d8: {  	v25 =	vand.u32 $0xFFF8, v25;
	v37 =	vadd.f32 v39, v37;
	v59 =	vld.idx.msk [tilespmem:v28+s2+$0x0], $0xffff;
	v43 =	vsel vm13, $0x0, v2  }
0x1d9: {  	v25 =	vor.u32 v16, v25;
	vm14 =	veq.s32 v44, $0x0;
	v34 =	vld.idx.msk [tilespmem:v34+s10+$0x0], $0xffff;
	v38 =	vadd.f32 v43, v38  }
0x1da: {  	v24 =	vand.u32 $0xFFF8, v24;
	v44 =	vld.idx.msk [tilespmem:v27+s2+$0x0], $0xffff;
	v36 =	vadd.f32 v36, v37;
	v45 =	vsel vm14, $0x0, v2  }
0x1db: {  	v24 =	vor.u32 v1, v24;
	v33 =	vld.idx.msk [tilespmem:v33+s10+$0x0], $0xffff;
	vm15 =	veq.s32 v47, $0x0;
	v37 =	vadd.f32 v45, v38  }
0x1dc: {  	v23 =	vand.u32 $0xFFF8, v23;
	v47 =	vld.idx.msk [tilespmem:v26+s2+$0x0], $0xffff;
	v35 =	vadd.f32 v35, v36;
	v58 =	vsel vm15, $0x0, v2  }
0x1dd: {  	v23 =	vor.u32 v61, v23;
	v32 =	vld.idx.msk [tilespmem:v32+s10+$0x0], $0xffff;
	vm4 =	veq.s32 v59, $0x0;
	v36 =	vadd.f32 v58, v37  }
0x1de: {  	v22 =	vand.u32 $0xFFF8, v22;
	v34 =	vadd.f32 v34, v35;
	v59 =	vld.idx.msk [tilespmem:v25+s2+$0x0], $0xffff;
	v40 =	vsel vm4, $0x0, v2  }
0x1df: {  	v22 =	vor.u32 v4, v22;
	vm5 =	veq.s32 v44, $0x0;
	v31 =	vld.idx.msk [tilespmem:v31+s10+$0x0], $0xffff;
	v35 =	vadd.f32 v40, v36  }
0x1e0: {  	v21 =	vand.u32 $0xFFF8, v21;
	v33 =	vadd.f32 v33, v34;
	v42 =	vsel vm5, $0x0, v2;
	v41 =	vld.idx.msk [tilespmem:v24+s2+$0x0], $0xffff  }
0x1e1: {  	v21 =	vor.u32 v60, v21;
	v30 =	vld.idx.msk [tilespmem:v30+s10+$0x0], $0xffff;
	vm6 =	veq.s32 v47, $0x0;
	v34 =	vadd.f32 v42, v35  }
0x1e2: {  	v20 =	vand.u32 $0xFFF8, v20;
	v44 =	vsel vm6, $0x0, v2;
	v32 =	vadd.f32 v32, v33;
	v43 =	vld.idx.msk [tilespmem:v23+s2+$0x0], $0xffff  }
0x1e3: {  	v20 =	vor.u32 v10, v20;
	v29 =	vld.idx.msk [tilespmem:v29+s10+$0x0], $0xffff;
	vm7 =	veq.s32 v59, $0x0;
	v33 =	vadd.f32 v44, v34  }
0x1e4: {  	v19 =	vand.u32 $0xFFF8, v19;
	v31 =	vadd.f32 v31, v32;
	v45 =	vld.idx.msk [tilespmem:v22+s2+$0x0], $0xffff;
	v47 =	vsel vm7, $0x0, v2  }
0x1e5: {  	v19 =	vor.u32 v12, v19;
	v28 =	vld.idx.msk [tilespmem:v28+s10+$0x0], $0xffff;
	vm8 =	veq.s32 v41, $0x0;
	v32 =	vadd.f32 v47, v33  }
0x1e6: {  	v18 =	vand.u32 $0xFFF8, v18;
	v30 =	vadd.f32 v30, v31;
	v58 =	vld.idx.msk [tilespmem:v21+s2+$0x0], $0xffff;
	v31 =	vsel vm8, $0x0, v2  }
0x1e7: {  	v18 =	vor.u32 v14, v18;
	v27 =	vld.idx.msk [tilespmem:v27+s10+$0x0], $0xffff;
	vm9 =	veq.s32 v43, $0x0;
	v31 =	vadd.f32 v31, v32  }
0x1e8: {  	v29 =	vadd.f32 v29, v30;
	v59 =	vld.idx.msk [tilespmem:v20+s2+$0x0], $0xffff;
	v30 =	vsel vm9, $0x0, v2  }
0x1e9: {  	v26 =	vld.idx.msk [tilespmem:v26+s10+$0x0], $0xffff;
	vm10 =	veq.s32 v45, $0x0;
	v30 =	vadd.f32 v30, v31  }
0x1ea: {  	v17 =	vand.u32 $0xFFF8, v17;
	v28 =	vadd.f32 v28, v29;
	v29 =	vsel vm10, $0x0, v2;
	v31 =	vld.idx.msk [tilespmem:v19+s2+$0x0], $0xffff  }
0x1eb: {  	v15 =	vand.u32 $0xFFF8, v15;
	v25 =	vld.idx.msk [tilespmem:v25+s10+$0x0], $0xffff;
	vm11 =	veq.s32 v58, $0x0;
	v29 =	vadd.f32 v29, v30  }
0x1ec: {  	v17 =	vor.u32 v16, v17;
	v27 =	vadd.f32 v27, v28;
	v28 =	vsel vm11, $0x0, v2;
	v30 =	vld.idx.msk [tilespmem:v18+s2+$0x0], $0xffff  }
0x1ed: {  	v11 =	vand.u32 $0xFFF8, v11;
	v24 =	vld.idx.msk [tilespmem:v24+s10+$0x0], $0xffff;
	vm12 =	veq.s32 v59, $0x0;
	v28 =	vadd.f32 v28, v29  }
0x1ee: {  	v11 =	vor.u32 v4, v11;
	v26 =	vadd.f32 v26, v27;
	v27 =	vsel vm12, $0x0, v2  }
0x1ef: {  	v13 =	vand.u32 $0xFFF8, v13;
	vm13 =	veq.s32 v31, $0x0;
	v27 =	vadd.f32 v27, v28  }
0x1f0: {  	v15 =	vor.u32 v1, v15;
	v23 =	vld.idx.msk [tilespmem:v23+s10+$0x0], $0xffff;
	v25 =	vadd.f32 v25, v26;
	v26 =	vsel vm13, $0x0, v2  }
0x1f1: {  	v9 =	vand.u32 $0xFFF8, v9;
	v29 =	vld.idx.msk [tilespmem:v17+s2+$0x0], $0xffff;
	vm14 =	veq.s32 v30, $0x0;
	v26 =	vadd.f32 v26, v27  }
0x1f2: {  	v13 =	vor.u32 v61, v13;
	v22 =	vld.idx.msk [tilespmem:v22+s10+$0x0], $0xffff;
	v24 =	vadd.f32 v24, v25;
	v25 =	vsel vm14, $0x0, v2  }
0x1f3: {  	v9 =	vor.u32 v60, v9;
	v25 =	vadd.f32 v25, v26;
	v26 =	vld.idx.msk [tilespmem:v11+s2+$0x0], $0xffff  }
0x1f4: {  	v21 =	vld.idx.msk [tilespmem:v21+s10+$0x0], $0xffff  }
0x1f5: {  	v28 =	vld.idx.msk [tilespmem:v15+s2+$0x0], $0xffff  }
0x1f6: {  	v7 =	vand.u32 $0xFFF8, v7;
	v20 =	vld.idx.msk [tilespmem:v20+s10+$0x0], $0xffff;
	vm15 =	veq.s32 v29, $0x0  }
0x1f7: {  	v7 =	vor.u32 v10, v7;
	v23 =	vadd.f32 v23, v24;
	v27 =	vld.idx.msk [tilespmem:v13+s2+$0x0], $0xffff;
	v24 =	vsel vm15, $0x0, v2  }
0x1f8: {  	v24 =	vadd.f32 v24, v25;
	v25 =	vld.idx.msk [tilespmem:v9+s2+$0x0], $0xffff;
	vm6 =	veq.s32 v26, $0x0;
	v26 =	vand.u32 $0xFFF8, v62  }
0x1f9: {  	v5 =	vand.u32 $0xFFF8, v5;
	v22 =	vadd.f32 v22, v23;
	v26 =	vor.u32 v1, v26;
	v1 =	vld [tilespmem:$0x1FC50]  }
0x1fa: {  	v0 =	vand.u32 $0xFFF8, v0;
	v5 =	vor.u32 v12, v5;
	v19 =	vld.idx.msk [tilespmem:v19+s10+$0x0], $0xffff;
	vm4 =	veq.s32 v28, $0x0  }
0x1fb: {  	v3 =	vand.u32 $0xFFF8, v3;
	v21 =	vadd.f32 v21, v22;
	v18 =	vld.idx.msk [tilespmem:v18+s10+$0x0], $0xffff;
	v23 =	vsel vm4, $0x0, v2  }
0x1fc: {  	v0 =	vor.u32 v14, v0;
	v17 =	vld.idx.msk [tilespmem:v17+s10+$0x0], $0xffff;
	vm5 =	veq.s32 v27, $0x0;
	v23 =	vadd.f32 v23, v24  }
0x1fd: {  	v3 =	vor.u32 v16, v3;
	v20 =	vadd.f32 v20, v21;
	v24 =	vld.idx.msk [tilespmem:v7+s2+$0x0], $0xffff;
	v22 =	vsel vm5, $0x0, v2  }
0x1fe: {  	v22 =	vadd.f32 v22, v23;
	vm7 =	veq.s32 v25, $0x0;
	v25 =	vand.u32 $0xFFF8, v1;
	v1 =	vld [tilespmem:$0x1FC60]  }
0x1ff: {  	v19 =	vadd.f32 v19, v20;
	v23 =	vld.idx.msk [tilespmem:v5+s2+$0x0], $0xffff;
	v21 =	vsel vm6, $0x0, v2  }
0x200: {  	v15 =	vld.idx.msk [tilespmem:v15+s10+$0x0], $0xffff;
	v21 =	vadd.f32 v21, v22  }
0x201: {  	v18 =	vadd.f32 v18, v19;
	v22 =	vld.idx.msk [tilespmem:v0+s2+$0x0], $0xffff;
	v20 =	vsel vm7, $0x0, v2  }
0x202: {  	v13 =	vld.idx.msk [tilespmem:v13+s10+$0x0], $0xffff;
	vm8 =	veq.s32 v24, $0x0;
	v20 =	vadd.f32 v20, v21;
	v25 =	vor.u32 v61, v25  }
0x203: {  	v17 =	vadd.f32 v17, v18;
	v21 =	vld.idx.msk [tilespmem:v3+s2+$0x0], $0xffff;
	v19 =	vsel vm8, $0x0, v2;
	v24 =	vand.u32 $0xFFF8, v1  }
0x204: {  	v11 =	vld.idx.msk [tilespmem:v11+s10+$0x0], $0xffff;
	vm9 =	veq.s32 v23, $0x0;
	v19 =	vadd.f32 v19, v20;
	v24 =	vor.u32 v4, v24  }
0x205: {  	v15 =	vadd.f32 v15, v17;
	v20 =	vld.idx.msk [tilespmem:v26+s2+$0x0], $0xffff;
	v18 =	vsel vm9, $0x0, v2  }
0x206: {  	v9 =	vld.idx.msk [tilespmem:v9+s10+$0x0], $0xffff;
	v23 =	vand.u32 $0xFFF8, v63;
	vm10 =	veq.s32 v22, $0x0;
	v18 =	vadd.f32 v18, v19  }
0x207: {  	v13 =	vadd.f32 v13, v15;
	v23 =	vor.u32 v60, v23;
	v17 =	vsel vm10, $0x0, v2;
	v19 =	vld.idx.msk [tilespmem:v25+s2+$0x0], $0xffff  }
0x208: {  	v7 =	vld.idx.msk [tilespmem:v7+s10+$0x0], $0xffff;
	vm11 =	veq.s32 v21, $0x0;
	v17 =	vadd.f32 v17, v18  }
0x209: {  	v11 =	vadd.f32 v11, v13;
	v15 =	vsel vm11, $0x0, v2;
	v18 =	vld.idx.msk [tilespmem:v24+s2+$0x0], $0xffff  }
0x20a: {  	v5 =	vld.idx.msk [tilespmem:v5+s10+$0x0], $0xffff;
	vm12 =	veq.s32 v20, $0x0;
	v15 =	vadd.f32 v15, v17  }
0x20b: {  	v9 =	vadd.f32 v9, v11;
	v0 =	vld.idx.msk [tilespmem:v0+s10+$0x0], $0xffff;
	v13 =	vsel vm12, $0x0, v2  }
0x20c: {  	v17 =	vld.idx.msk [tilespmem:v23+s2+$0x0], $0xffff;
	v13 =	vadd.f32 v13, v15;
	vm13 =	veq.s32 v19, $0x0  }
0x20d: {  	v7 =	vadd.f32 v7, v9;
	v11 =	vsel vm13, $0x0, v2  }
0x20e: {  	v3 =	vld.idx.msk [tilespmem:v3+s10+$0x0], $0xffff;
	v11 =	vadd.f32 v11, v13;
	vm14 =	veq.s32 v18, $0x0  }
0x20f: {  	v5 =	vadd.f32 v5, v7;
	v1 =	vld [tilespmem:$0x1FF50];
	v9 =	vsel vm14, $0x0, v2  }
0x210: {  	v9 =	vadd.f32 v9, v11;
	v11 =	vld.idx.msk [tilespmem:v26+s10+$0x0], $0xffff  }
0x211: {  	v0 =	vadd.f32 v0, v5;
	vm15 =	veq.s32 v17, $0x0  }
0x212: {  	v7 =	vsel vm15, $0x0, v2  }
0x213: {  	v7 =	vadd.f32 v7, v9;
	v9 =	vadd.f32 v3, v0;
	_ =	sdelay $0x1  }
0x214: {  	v19 =	vadd.f32 v11, v9;
	v9 =	vadd.s32 s16, v1;
	v1 =	vld [tilespmem:$0x1FF30];
	_ =	sdelay $0x4  }
0x215: {  	v17 =	vadd.s32 s16, v1;
	v1 =	vld [tilespmem:$0x1FF40];
	_ =	sdelay $0x4  }
0x216: {  	v15 =	vadd.s32 s16, v1;
	v1 =	vld [tilespmem:$0x1FF00];
	_ =	sdelay $0x3  }
0x217: {  	v18 =	vld.idx.msk [tilespmem:v25+s10+$0x0], $0xffff  }
0x218: {  	v20 =	vadd.s32 s16, v1;
	v1 =	vld [tilespmem:$0x1FF10];
	_ =	sdelay $0x3  }
0x219: {  	v27 =	vld.idx.msk [tilespmem:v23+s10+$0x0], $0xffff  }
0x21a: {  	v23 =	vadd.f32 v18, v19;
	v19 =	vadd.s32 s16, v1;
	v1 =	vld [tilespmem:$0x1FF20];
	_ =	sdelay $0x4  }
0x21b: {  	v18 =	vadd.s32 s16, v1;
	v1 =	vld [tilespmem:$0x1FEE0];
	_ =	sdelay $0x4  }
0x21c: {  	v22 =	vadd.s32 s16, v1;
	v1 =	vld [tilespmem:$0x1FEF0];
	_ =	sdelay $0x4  }
0x21d: {  	v21 =	vadd.s32 s16, v1;
	v1 =	vld [tilespmem:$0x1FEB0];
	_ =	sdelay $0x3  }
0x21e: {  	v24 =	vld.idx.msk [tilespmem:v24+s10+$0x0], $0xffff  }
0x21f: {  	v25 =	vadd.s32 s16, v1;
	v1 =	vld [tilespmem:$0x1FEC0];
	_ =	sdelay $0x2  }
0x220: {  	v54 =	vld [tilespmem:$0x1FFC0]  }
0x221: {  	v48 =	vld [tilespmem:$0x1FF60]  }
0x222: {  	v28 =	vadd.f32 v24, v23;
	v24 =	vadd.s32 s16, v1;
	v1 =	vld [tilespmem:$0x1FED0]  }
0x223: {  	v55 =	vld [tilespmem:$0x1FFD0]  }
0x224: {  	v56 =	vld [tilespmem:$0x1FFE0]  }
0x225: {  	v53 =	vld [tilespmem:$0x1FFB0]  }
0x226: {  	v57 =	vld [tilespmem:$0x1FFF0]  }
0x227: {  	v5 =	vmax.f32 v7, $1.000000000e+00;
	v23 =	vadd.s32 s16, v1;
	v1 =	vld [tilespmem:$0x1FEA0]  }
0x228: {  	v50 =	vld [tilespmem:$0x1FF80];
	(erf) = vrcp.f32 v5  }
0x229: {  	v51 =	vld [tilespmem:$0x1FF90]  }
0x22a: {  	v52 =	vld [tilespmem:$0x1FFA0]  }
0x22b: {  	v49 =	vld [tilespmem:$0x1FF70];
	v46 =	vmov v6  }
0x22c: {  	p0 =	sne.s32 s16, $0x60E0;
	s14 =	smov.u32 s16;
	v29 =	vadd.s32 s16, v46;
	v26 =	vadd.s32 s16, v1;
	v1 =	vld [tilespmem:$0x1FE90]  }
.Ltmp0:
0x22d: {  	v30 =	vadd.s32 s14, v8;
	v29 =	vand.u32 $0xFFF8, v29;
	(pc) =	sbr.rel @p0 .LBB2_2-.Ltmp0, $4  }
0x22e: {  	v62 =	vadd.s32 s16, v54;
	v63 =	vadd.s32 s16, v57;
	v60 =	vadd.s32 s16, v56  }
0x22f: {  	v61 =	vadd.s32 s16, v55;
	v13 =	vadd.s32 s16, v48;
	v0 =	vadd.s32 s16, v52  }
0x230: {  	v6 =	vmovc v8;
	v3 =	vadd.s32 s16, v53;
	v7 =	vadd.s32 s16, v50;
	v5 =	vadd.s32 s16, v51  }
0x231: {  	v11 =	vadd.s32 s16, v49;
	v28 =	vadd.f32 v27, v28;
	v31 =	vpop (erf);
	s16 =	sadd.s32 $0x320, s16;
	v27 =	vadd.s32 s14, v1  }
0x232: {  	v4 =	vld [tilespmem:$0x1FC80]  }
0x233: {  	v16 =	vld [tilespmem:$0x1FC90]  }
0x234: {  	v8 =	vld [tilespmem:$0x1FCA0]  }
0x235: {  	v58 =	vld [tilespmem:$0x1FC70]  }
0x236: {  	v10 =	vld [tilespmem:$0x1FCC0]  }
0x237: {  	v12 =	vld [tilespmem:$0x1FCE0]  }
0x238: {  	v14 =	vld [tilespmem:$0x1FD00]  }
0x239: {  	v45 =	vadd.s32 s14, v8;
	v8 =	vld [tilespmem:$0x1FCB0]  }
0x23a: {  	v30 =	vand.u32 $0xFFF8, v30;
	v47 =	vld [tilespmem:$0x1FD20]  }
0x23b: {  	v28 =	vmul.f32 v31, v28;
	v29 =	vor.u32 v4, v29;
	v32 =	vadd.s32 s14, v10;
	v10 =	vld [tilespmem:$0x1FCD0]  }
0x23c: {  	v39 =	vld [tilespmem:$0x1FD40];
	v30 =	vor.u32 v16, v30  }
0x23d: {  	v28 =	vadd.f32 v28, v58;
	v33 =	vadd.s32 s14, v12;
	v12 =	vld [tilespmem:$0x1FCF0];
	v31 =	vand.u32 $0xFFF8, v45  }
0x23e: {  	s15 =	sadd.s32 $0x10, s15;
	v44 =	vld [tilespmem:$0x1FE60];
	v31 =	vor.u32 v8, v31  }
0x23f: {  	v35 =	vadd.s32 s14, v14;
	v14 =	vld [tilespmem:$0x1FD10];
	v32 =	vand.u32 $0xFFF8, v32;
	[tilespmem:s15+$0x0] =	vst v28  }
0x240: {  	v28 =	vld.idx.msk [tilespmem:v29+s2+$0x0], $0xffff;
	v32 =	vor.u32 v10, v32  }
0x241: {  	v33 =	vand.u32 $0xFFF8, v33;
	v34 =	vld.idx.msk [tilespmem:v30+s2+$0x0], $0xffff  }
0x242: {  	v37 =	vadd.s32 s14, v47;
	v47 =	vld [tilespmem:$0x1FD50];
	v33 =	vor.u32 v12, v33  }
0x243: {  	v35 =	vand.u32 $0xFFF8, v35;
	v36 =	vld.idx.msk [tilespmem:v31+s2+$0x0], $0xffff  }
0x244: {  	v1 =	vld [tilespmem:$0x1FD30];
	v35 =	vor.u32 v14, v35  }
0x245: {  	v39 =	vadd.s32 s14, v39;
	v38 =	vld.idx.msk [tilespmem:v32+s2+$0x0], $0xffff  }
0x246: {  	v43 =	vld [tilespmem:$0x1FD70];
	vm0 =	veq.s32 v28, $0x0;
	vm1 =	veq.s32 v34, $0x0;
	v28 =	vand.u32 $0xFFF8, v39  }
0x247: {  	v34 =	vld.idx.msk [tilespmem:v33+s2+$0x0], $0xffff;
	v59 =	vsel vm0, $0x0, v2;
	v40 =	vsel vm1, $0x0, v2;
	v41 =	vor.u32 v47, v28  }
0x248: {  	v28 =	vadd.s32 s14, v44;
	v44 =	vld [tilespmem:$0x1FD80];
	v39 =	vadd.f32 v40, v59;
	vm4 =	veq.s32 v36, $0x0  }
0x249: {  	v59 =	vld.idx.msk [tilespmem:v35+s2+$0x0], $0xffff;
	v42 =	vsel vm4, $0x0, v2  }
0x24a: {  	vm5 =	veq.s32 v38, $0x0;
	v39 =	vadd.f32 v42, v39  }
0x24b: {  	v37 =	vand.u32 $0xFFF8, v37;
	v38 =	vadd.s32 s14, v43;
	v43 =	vsel vm5, $0x0, v2  }
0x24c: {  	vm6 =	veq.s32 v34, $0x0;
	v38 =	vand.u32 $0xFFF8, v38;
	v39 =	vadd.f32 v43, v39  }
0x24d: {  	v45 =	vld [tilespmem:$0x1FD60];
	v34 =	vor.u32 v16, v38;
	v38 =	vadd.s32 s14, v44;
	v44 =	vsel vm6, $0x0, v2  }
0x24e: {  	v37 =	vor.u32 v1, v37;
	vm7 =	veq.s32 v59, $0x0;
	v39 =	vadd.f32 v44, v39  }
0x24f: {  	v59 =	vsel vm7, $0x0, v2  }
0x250: {  	v39 =	vadd.f32 v59, v39;
	v59 =	vld [tilespmem:$0x1FDA0];
	_ =	sdelay $0x1  }
0x251: {  	v36 =	vadd.s32 s14, v45;
	v45 =	vld [tilespmem:$0x1FD90]  }
0x252: {  	v36 =	vand.u32 $0xFFF8, v36;
	v42 =	vld.idx.msk [tilespmem:v37+s2+$0x0], $0xffff  }
0x253: {  	v36 =	vor.u32 v4, v36;
	v43 =	vld.idx.msk [tilespmem:v41+s2+$0x0], $0xffff  }
0x254: {  	v44 =	vadd.s32 s14, v59;
	v59 =	vld [tilespmem:$0x1FDB0]  }
0x255: {  	v29 =	vld.idx.msk [tilespmem:v29+s10+$0x0], $0xffff;
	_ =	sdelay $0x1  }
0x256: {  	v30 =	vld.idx.msk [tilespmem:v30+s10+$0x0], $0xffff  }
0x257: {  	v40 =	vadd.s32 s14, v45;
	v45 =	vld.idx.msk [tilespmem:v36+s2+$0x0], $0xffff;
	vm8 =	veq.s32 v42, $0x0  }
0x258: {  	vm9 =	veq.s32 v43, $0x0;
	v43 =	vand.u32 $0xFFF8, v44;
	v44 =	vadd.s32 s14, v59;
	v59 =	vld [tilespmem:$0x1FDD0]  }
0x259: {  	v29 =	vadd.f32 $0.0e+00, v29;
	v42 =	vsel vm8, $0x0, v2  }
0x25a: {  	v39 =	vadd.f32 v42, v39  }
0x25b: {  	v29 =	vadd.f32 v30, v29;
	v30 =	vsel vm9, $0x0, v2  }
0x25c: {  	v31 =	vld.idx.msk [tilespmem:v31+s10+$0x0], $0xffff;
	v30 =	vadd.f32 v30, v39;
	vm10 =	veq.s32 v45, $0x0  }
0x25d: {  	v38 =	vand.u32 $0xFFF8, v38;
	v42 =	vld.idx.msk [tilespmem:v34+s2+$0x0], $0xffff;
	v45 =	vadd.s32 s14, v59;
	v59 =	vsel vm10, $0x0, v2  }
0x25e: {  	v38 =	vor.u32 v8, v38;
	v30 =	vadd.f32 v59, v30;
	v59 =	vld [tilespmem:$0x1FDC0];
	_ =	sdelay $0x3  }
0x25f: {  	v29 =	vadd.f32 v31, v29;
	v40 =	vand.u32 $0xFFF8, v40;
	vm11 =	veq.s32 v42, $0x0  }
0x260: {  	v40 =	vor.u32 v10, v40;
	v39 =	vld.idx.msk [tilespmem:v38+s2+$0x0], $0xffff;
	v31 =	vadd.s32 s14, v59;
	v59 =	vsel vm11, $0x0, v2  }
0x261: {  	v30 =	vadd.f32 v59, v30;
	v59 =	vld [tilespmem:$0x1FDE0]  }
0x262: {  	v32 =	vld.idx.msk [tilespmem:v32+s10+$0x0], $0xffff;
	_ =	sdelay $0x1  }
0x263: {  	v33 =	vld.idx.msk [tilespmem:v33+s10+$0x0], $0xffff  }
0x264: {  	v43 =	vor.u32 v12, v43;
	v42 =	vld.idx.msk [tilespmem:v40+s2+$0x0], $0xffff  }
0x265: {  	vm12 =	veq.s32 v39, $0x0;
	v39 =	vand.u32 $0xFFF8, v45;
	v45 =	vadd.s32 s14, v59;
	v59 =	vld [tilespmem:$0x1FE00]  }
0x266: {  	v29 =	vadd.f32 v32, v29;
	_ =	sdelay $0x1  }
0x267: {  	v29 =	vadd.f32 v33, v29;
	v33 =	vsel vm12, $0x0, v2  }
0x268: {  	v35 =	vld.idx.msk [tilespmem:v35+s10+$0x0], $0xffff;
	vm13 =	veq.s32 v42, $0x0;
	v30 =	vadd.f32 v33, v30  }
0x269: {  	v44 =	vand.u32 $0xFFF8, v44;
	v32 =	vld.idx.msk [tilespmem:v43+s2+$0x0], $0xffff;
	v42 =	vadd.s32 s14, v59;
	v59 =	vsel vm13, $0x0, v2  }
0x26a: {  	v44 =	vor.u32 v14, v44;
	v30 =	vadd.f32 v59, v30;
	v59 =	vld [tilespmem:$0x1FDF0];
	_ =	sdelay $0x3  }
0x26b: {  	v29 =	vadd.f32 v35, v29;
	vm14 =	veq.s32 v32, $0x0;
	v31 =	vand.u32 $0xFFF8, v31  }
0x26c: {  	v31 =	vor.u32 v1, v31;
	v33 =	vld.idx.msk [tilespmem:v44+s2+$0x0], $0xffff;
	v35 =	vadd.s32 s14, v59;
	v59 =	vsel vm14, $0x0, v2  }
0x26d: {  	v30 =	vadd.f32 v59, v30;
	v59 =	vld [tilespmem:$0x1FE10]  }
0x26e: {  	v37 =	vld.idx.msk [tilespmem:v37+s10+$0x0], $0xffff;
	_ =	sdelay $0x1  }
0x26f: {  	v41 =	vld.idx.msk [tilespmem:v41+s10+$0x0], $0xffff  }
0x270: {  	v39 =	vor.u32 v47, v39;
	v32 =	vld.idx.msk [tilespmem:v31+s2+$0x0], $0xffff  }
0x271: {  	vm15 =	veq.s32 v33, $0x0;
	v33 =	vand.u32 $0xFFF8, v42;
	v42 =	vadd.s32 s14, v59;
	v59 =	vld [tilespmem:$0x1FE30]  }
0x272: {  	v29 =	vadd.f32 v37, v29;
	_ =	sdelay $0x1  }
0x273: {  	v29 =	vadd.f32 v41, v29;
	v41 =	vsel vm15, $0x0, v2  }
0x274: {  	v36 =	vld.idx.msk [tilespmem:v36+s10+$0x0], $0xffff;
	vm4 =	veq.s32 v32, $0x0;
	v30 =	vadd.f32 v41, v30  }
0x275: {  	v37 =	vld.idx.msk [tilespmem:v39+s2+$0x0], $0xffff;
	v45 =	vand.u32 $0xFFF8, v45;
	v32 =	vadd.s32 s14, v59;
	v59 =	vsel vm4, $0x0, v2  }
0x276: {  	v45 =	vor.u32 v4, v45;
	v30 =	vadd.f32 v59, v30;
	v59 =	vld [tilespmem:$0x1FE20];
	_ =	sdelay $0x2  }
0x277: {  	v35 =	vand.u32 $0xFFF8, v35  }
0x278: {  	vm5 =	veq.s32 v37, $0x0;
	v35 =	vor.u32 v16, v35  }
0x279: {  	v29 =	vadd.f32 v36, v29;
	v41 =	vld.idx.msk [tilespmem:v45+s2+$0x0], $0xffff;
	v36 =	vadd.s32 s14, v59;
	v59 =	vsel vm5, $0x0, v2  }
0x27a: {  	v30 =	vadd.f32 v59, v30;
	v59 =	vld [tilespmem:$0x1FE40]  }
0x27b: {  	v34 =	vld.idx.msk [tilespmem:v34+s10+$0x0], $0xffff;
	v33 =	vor.u32 v8, v33  }
0x27c: {  	v38 =	vld.idx.msk [tilespmem:v38+s10+$0x0], $0xffff  }
0x27d: {  	v37 =	vld.idx.msk [tilespmem:v35+s2+$0x0], $0xffff  }
0x27e: {  	vm6 =	veq.s32 v41, $0x0;
	v41 =	vld.idx.msk [tilespmem:v43+s10+$0x0], $0xffff  }
0x27f: {  	v43 =	vadd.s32 s14, v59;
	v59 =	vld [tilespmem:$0x1FE50]  }
0x280: {  	v29 =	vadd.f32 v34, v29;
	v34 =	vld.idx.msk [tilespmem:v33+s2+$0x0], $0xffff;
	v42 =	vand.u32 $0xFFF8, v42  }
0x281: {  	v42 =	vor.u32 v10, v42  }
0x282: {  	v29 =	vadd.f32 v38, v29;
	v38 =	vsel vm6, $0x0, v2  }
0x283: {  	vm7 =	veq.s32 v37, $0x0;
	v30 =	vadd.f32 v38, v30  }
0x284: {  	v37 =	vadd.s32 s14, v59;
	v59 =	vsel vm7, $0x0, v2  }
0x285: {  	v40 =	vld.idx.msk [tilespmem:v40+s10+$0x0], $0xffff;
	vm8 =	veq.s32 v34, $0x0;
	v30 =	vadd.f32 v59, v30  }
0x286: {  	v36 =	vand.u32 $0xFFF8, v36;
	v38 =	vld.idx.msk [tilespmem:v42+s2+$0x0], $0xffff;
	v59 =	vsel vm8, $0x0, v2  }
0x287: {  	v36 =	vor.u32 v12, v36;
	v30 =	vadd.f32 v59, v30;
	v59 =	vld [tilespmem:$0x1FE70];
	_ =	sdelay $0x1  }
0x288: {  	v32 =	vand.u32 $0xFFF8, v32  }
0x289: {  	v29 =	vadd.f32 v40, v29;
	v32 =	vor.u32 v14, v32;
	v43 =	vand.u32 $0xFFF8, v43  }
0x28a: {  	v44 =	vld.idx.msk [tilespmem:v44+s10+$0x0], $0xffff;
	v43 =	vor.u32 v1, v43;
	vm9 =	veq.s32 v38, $0x0;
	v37 =	vand.u32 $0xFFF8, v37  }
0x28b: {  	v40 =	vld.idx.msk [tilespmem:v36+s2+$0x0], $0xffff;
	v34 =	vor.u32 v47, v37;
	v37 =	vadd.s32 s14, v59;
	v59 =	vsel vm9, $0x0, v2  }
0x28c: {  	v30 =	vadd.f32 v59, v30;
	v59 =	vld [tilespmem:$0x1FE80]  }
0x28d: {  	v31 =	vld.idx.msk [tilespmem:v31+s10+$0x0], $0xffff  }
0x28e: {  	v28 =	vand.u32 $0xFFF8, v28;
	v29 =	vadd.f32 v41, v29;
	v41 =	vld.idx.msk [tilespmem:v32+s2+$0x0], $0xffff  }
0x28f: {  	v28 =	vor.u32 v4, v28;
	v38 =	vld.idx.msk [tilespmem:v39+s10+$0x0], $0xffff  }
0x290: {  	v29 =	vadd.f32 v44, v29;
	v44 =	vld.idx.msk [tilespmem:v43+s2+$0x0], $0xffff;
	v37 =	vand.u32 $0xFFF8, v37  }
0x291: {  	v45 =	vld.idx.msk [tilespmem:v45+s10+$0x0], $0xffff;
	vm10 =	veq.s32 v40, $0x0;
	v37 =	vor.u32 v16, v37;
	v39 =	vadd.s32 s14, v59  }
0x292: {  	v29 =	vadd.f32 v31, v29;
	v40 =	vld.idx.msk [tilespmem:v34+s2+$0x0], $0xffff;
	v59 =	vsel vm10, $0x0, v2;
	v39 =	vand.u32 $0xFFF8, v39  }
0x293: {  	vm11 =	veq.s32 v41, $0x0;
	v30 =	vadd.f32 v59, v30;
	v59 =	vld.idx.msk [tilespmem:v35+s10+$0x0], $0xffff;
	v35 =	vor.u32 v8, v39  }
0x294: {  	v27 =	vand.u32 $0xFFF8, v27;
	v41 =	vsel vm11, $0x0, v2;
	v29 =	vadd.f32 v38, v29;
	v39 =	vld.idx.msk [tilespmem:v28+s2+$0x0], $0xffff  }
0x295: {  	v27 =	vor.u32 v10, v27;
	v33 =	vld.idx.msk [tilespmem:v33+s10+$0x0], $0xffff;
	vm12 =	veq.s32 v44, $0x0;
	v30 =	vadd.f32 v41, v30  }
0x296: {  	v26 =	vand.u32 $0xFFF8, v26;
	v29 =	vadd.f32 v45, v29;
	v44 =	vsel vm12, $0x0, v2;
	v38 =	vld.idx.msk [tilespmem:v37+s2+$0x0], $0xffff  }
0x297: {  	v26 =	vor.u32 v12, v26;
	v45 =	vld.idx.msk [tilespmem:v42+s10+$0x0], $0xffff;
	vm13 =	veq.s32 v40, $0x0;
	v30 =	vadd.f32 v44, v30  }
0x298: {  	v25 =	vand.u32 $0xFFF8, v25;
	v29 =	vadd.f32 v59, v29;
	v59 =	vsel vm13, $0x0, v2;
	v40 =	vld.idx.msk [tilespmem:v35+s2+$0x0], $0xffff  }
0x299: {  	v25 =	vor.u32 v14, v25;
	v31 =	vld.idx.msk [tilespmem:v36+s10+$0x0], $0xffff;
	v30 =	vadd.f32 v59, v30;
	vm14 =	veq.s32 v39, $0x0  }
0x29a: {  	v24 =	vand.u32 $0xFFF8, v24;
	v36 =	vld.idx.msk [tilespmem:v27+s2+$0x0], $0xffff;
	v29 =	vadd.f32 v33, v29;
	v42 =	vsel vm14, $0x0, v2  }
0x29b: {  	v24 =	vor.u32 v1, v24;
	v32 =	vld.idx.msk [tilespmem:v32+s10+$0x0], $0xffff;
	vm15 =	veq.s32 v38, $0x0;
	v30 =	vadd.f32 v42, v30  }
0x29c: {  	v23 =	vand.u32 $0xFFF8, v23;
	v44 =	vld.idx.msk [tilespmem:v26+s2+$0x0], $0xffff;
	v38 =	vsel vm15, $0x0, v2;
	v29 =	vadd.f32 v45, v29  }
0x29d: {  	v23 =	vor.u32 v47, v23;
	v45 =	vld.idx.msk [tilespmem:v43+s10+$0x0], $0xffff;
	v30 =	vadd.f32 v38, v30;
	vm4 =	veq.s32 v40, $0x0  }
0x29e: {  	v22 =	vand.u32 $0xFFF8, v22;
	v59 =	vld.idx.msk [tilespmem:v25+s2+$0x0], $0xffff;
	v29 =	vadd.f32 v31, v29;
	v40 =	vsel vm4, $0x0, v2  }
0x29f: {  	v22 =	vor.u32 v4, v22;
	vm5 =	veq.s32 v36, $0x0;
	v41 =	vld.idx.msk [tilespmem:v34+s10+$0x0], $0xffff;
	v30 =	vadd.f32 v40, v30  }
0x2a0: {  	v21 =	vand.u32 $0xFFF8, v21;
	v42 =	vld.idx.msk [tilespmem:v24+s2+$0x0], $0xffff;
	v43 =	vsel vm5, $0x0, v2;
	v29 =	vadd.f32 v32, v29  }
0x2a1: {  	v21 =	vor.u32 v16, v21;
	v28 =	vld.idx.msk [tilespmem:v28+s10+$0x0], $0xffff;
	vm6 =	veq.s32 v44, $0x0;
	v30 =	vadd.f32 v43, v30  }
0x2a2: {  	v20 =	vand.u32 $0xFFF8, v20;
	v44 =	vld.idx.msk [tilespmem:v23+s2+$0x0], $0xffff;
	v33 =	vsel vm6, $0x0, v2;
	v29 =	vadd.f32 v45, v29  }
0x2a3: {  	v20 =	vor.u32 v8, v20;
	vm7 =	veq.s32 v59, $0x0;
	v45 =	vld.idx.msk [tilespmem:v37+s10+$0x0], $0xffff;
	v30 =	vadd.f32 v33, v30  }
0x2a4: {  	v19 =	vand.u32 $0xFFF8, v19;
	v59 =	vld.idx.msk [tilespmem:v22+s2+$0x0], $0xffff;
	v40 =	vsel vm7, $0x0, v2;
	v29 =	vadd.f32 v41, v29  }
0x2a5: {  	v19 =	vor.u32 v10, v19;
	vm8 =	veq.s32 v42, $0x0;
	v41 =	vld.idx.msk [tilespmem:v35+s10+$0x0], $0xffff;
	v30 =	vadd.f32 v40, v30  }
0x2a6: {  	v18 =	vand.u32 $0xFFF8, v18;
	v42 =	vld.idx.msk [tilespmem:v21+s2+$0x0], $0xffff;
	v43 =	vsel vm8, $0x0, v2;
	v28 =	vadd.f32 v28, v29  }
0x2a7: {  	v18 =	vor.u32 v12, v18;
	v27 =	vld.idx.msk [tilespmem:v27+s10+$0x0], $0xffff;
	vm9 =	veq.s32 v44, $0x0;
	v29 =	vadd.f32 v43, v30  }
0x2a8: {  	v17 =	vand.u32 $0xFFF8, v17;
	v44 =	vld.idx.msk [tilespmem:v20+s2+$0x0], $0xffff;
	v32 =	vsel vm9, $0x0, v2;
	v28 =	vadd.f32 v45, v28  }
0x2a9: {  	v17 =	vor.u32 v14, v17;
	v26 =	vld.idx.msk [tilespmem:v26+s10+$0x0], $0xffff;
	vm10 =	veq.s32 v59, $0x0;
	v29 =	vadd.f32 v32, v29  }
0x2aa: {  	v15 =	vand.u32 $0xFFF8, v15;
	v59 =	vsel vm10, $0x0, v2;
	v45 =	vld.idx.msk [tilespmem:v19+s2+$0x0], $0xffff;
	v28 =	vadd.f32 v41, v28  }
0x2ab: {  	v15 =	vor.u32 v1, v15;
	v25 =	vld.idx.msk [tilespmem:v25+s10+$0x0], $0xffff;
	vm11 =	veq.s32 v42, $0x0;
	v29 =	vadd.f32 v59, v29  }
0x2ac: {  	v13 =	vand.u32 $0xFFF8, v13;
	v33 =	vld.idx.msk [tilespmem:v18+s2+$0x0], $0xffff;
	v34 =	vsel vm11, $0x0, v2;
	v27 =	vadd.f32 v27, v28  }
0x2ad: {  	v13 =	vor.u32 v47, v13;
	v24 =	vld.idx.msk [tilespmem:v24+s10+$0x0], $0xffff;
	vm12 =	veq.s32 v44, $0x0;
	v28 =	vadd.f32 v34, v29  }
0x2ae: {  	v11 =	vand.u32 $0xFFF8, v11;
	v35 =	vld.idx.msk [tilespmem:v17+s2+$0x0], $0xffff;
	v36 =	vsel vm12, $0x0, v2;
	v26 =	vadd.f32 v26, v27  }
0x2af: {  	v11 =	vor.u32 v4, v11;
	v23 =	vld.idx.msk [tilespmem:v23+s10+$0x0], $0xffff;
	vm13 =	veq.s32 v45, $0x0;
	v27 =	vadd.f32 v36, v28  }
0x2b0: {  	v9 =	vand.u32 $0xFFF8, v9;
	v37 =	vld.idx.msk [tilespmem:v15+s2+$0x0], $0xffff;
	v38 =	vsel vm13, $0x0, v2;
	v25 =	vadd.f32 v25, v26  }
0x2b1: {  	v9 =	vor.u32 v16, v9;
	v22 =	vld.idx.msk [tilespmem:v22+s10+$0x0], $0xffff;
	vm14 =	veq.s32 v33, $0x0;
	v26 =	vadd.f32 v38, v27  }
0x2b2: {  	v7 =	vand.u32 $0xFFF8, v7;
	v39 =	vld.idx.msk [tilespmem:v13+s2+$0x0], $0xffff;
	v40 =	vsel vm14, $0x0, v2;
	v24 =	vadd.f32 v24, v25  }
0x2b3: {  	v7 =	vor.u32 v8, v7;
	v21 =	vld.idx.msk [tilespmem:v21+s10+$0x0], $0xffff;
	vm15 =	veq.s32 v35, $0x0;
	v25 =	vadd.f32 v40, v26  }
0x2b4: {  	v5 =	vand.u32 $0xFFF8, v5;
	v41 =	vld.idx.msk [tilespmem:v11+s2+$0x0], $0xffff;
	v42 =	vsel vm15, $0x0, v2;
	v23 =	vadd.f32 v23, v24  }
0x2b5: {  	v5 =	vor.u32 v10, v5;
	v20 =	vld.idx.msk [tilespmem:v20+s10+$0x0], $0xffff;
	vm4 =	veq.s32 v37, $0x0;
	v24 =	vadd.f32 v42, v25  }
0x2b6: {  	v0 =	vand.u32 $0xFFF8, v0;
	v43 =	vld.idx.msk [tilespmem:v9+s2+$0x0], $0xffff;
	v44 =	vsel vm4, $0x0, v2;
	v22 =	vadd.f32 v22, v23  }
0x2b7: {  	v0 =	vor.u32 v12, v0;
	vm5 =	veq.s32 v39, $0x0;
	v19 =	vld.idx.msk [tilespmem:v19+s10+$0x0], $0xffff;
	v23 =	vadd.f32 v44, v24  }
0x2b8: {  	v3 =	vand.u32 $0xFFF8, v3;
	v59 =	vsel vm5, $0x0, v2;
	v45 =	vld.idx.msk [tilespmem:v7+s2+$0x0], $0xffff;
	v21 =	vadd.f32 v21, v22  }
0x2b9: {  	v3 =	vor.u32 v14, v3;
	v18 =	vld.idx.msk [tilespmem:v18+s10+$0x0], $0xffff;
	vm6 =	veq.s32 v41, $0x0;
	v22 =	vadd.f32 v59, v23  }
0x2ba: {  	v10 =	vld.idx.msk [tilespmem:v5+s2+$0x0], $0xffff;
	v28 =	vand.u32 $0xFFF8, v62;
	v29 =	vsel vm6, $0x0, v2;
	v20 =	vadd.f32 v20, v21  }
0x2bb: {  	v17 =	vld.idx.msk [tilespmem:v17+s10+$0x0], $0xffff;
	vm7 =	veq.s32 v43, $0x0;
	v30 =	vor.u32 v1, v28;
	v21 =	vadd.f32 v29, v22  }
0x2bc: {  	v31 =	vld.idx.msk [tilespmem:v0+s2+$0x0], $0xffff;
	v32 =	vand.u32 $0xFFF8, v61;
	v33 =	vsel vm7, $0x0, v2;
	v19 =	vadd.f32 v19, v20  }
0x2bd: {  	v15 =	vld.idx.msk [tilespmem:v15+s10+$0x0], $0xffff;
	v34 =	vor.u32 v47, v32;
	vm8 =	veq.s32 v45, $0x0;
	v20 =	vadd.f32 v33, v21  }
0x2be: {  	v35 =	vld.idx.msk [tilespmem:v3+s2+$0x0], $0xffff;
	v36 =	vand.u32 $0xFFF8, v60;
	v37 =	vsel vm8, $0x0, v2;
	v18 =	vadd.f32 v18, v19  }
0x2bf: {  	v13 =	vld.idx.msk [tilespmem:v13+s10+$0x0], $0xffff;
	vm9 =	veq.s32 v10, $0x0;
	v38 =	vor.u32 v4, v36;
	v19 =	vadd.f32 v37, v20  }
0x2c0: {  	v41 =	vsel vm9, $0x0, v2;
	v40 =	vand.u32 $0xFFF8, v63;
	v39 =	vld.idx.msk [tilespmem:v30+s2+$0x0], $0xffff;
	v17 =	vadd.f32 v17, v18  }
0x2c1: {  	vm10 =	veq.s32 v31, $0x0;
	v11 =	vld.idx.msk [tilespmem:v11+s10+$0x0], $0xffff;
	v42 =	vor.u32 v16, v40;
	v18 =	vadd.f32 v41, v19  }
0x2c2: {  	v43 =	vld.idx.msk [tilespmem:v34+s2+$0x0], $0xffff;
	v44 =	vsel vm10, $0x0, v2;
	v15 =	vadd.f32 v15, v17  }
0x2c3: {  	v9 =	vld.idx.msk [tilespmem:v9+s10+$0x0], $0xffff;
	vm11 =	veq.s32 v35, $0x0;
	v17 =	vadd.f32 v44, v18  }
0x2c4: {  	v47 =	vsel vm11, $0x0, v2;
	v45 =	vld.idx.msk [tilespmem:v38+s2+$0x0], $0xffff;
	v13 =	vadd.f32 v13, v15  }
0x2c5: {  	v7 =	vld.idx.msk [tilespmem:v7+s10+$0x0], $0xffff;
	vm12 =	veq.s32 v39, $0x0;
	v15 =	vadd.f32 v47, v17  }
0x2c6: {  	v59 =	vld.idx.msk [tilespmem:v42+s2+$0x0], $0xffff;
	v60 =	vsel vm12, $0x0, v2;
	v11 =	vadd.f32 v11, v13  }
0x2c7: {  	v5 =	vld.idx.msk [tilespmem:v5+s10+$0x0], $0xffff;
	vm13 =	veq.s32 v43, $0x0;
	v13 =	vadd.f32 v60, v15  }
0x2c8: {  	v61 =	vsel vm13, $0x0, v2;
	v9 =	vadd.f32 v9, v11  }
0x2c9: {  	v0 =	vld.idx.msk [tilespmem:v0+s10+$0x0], $0xffff;
	vm14 =	veq.s32 v45, $0x0;
	v11 =	vadd.f32 v61, v13  }
0x2ca: {  	v62 =	vsel vm14, $0x0, v2;
	v7 =	vadd.f32 v7, v9  }
0x2cb: {  	v3 =	vld.idx.msk [tilespmem:v3+s10+$0x0], $0xffff;
	vm15 =	veq.s32 v59, $0x0;
	v9 =	vadd.f32 v62, v11  }
0x2cc: {  	v5 =	vadd.f32 v5, v7;
	v7 =	vsel vm15, $0x0, v2  }
0x2cd: {  	v63 =	vld.idx.msk [tilespmem:v30+s10+$0x0], $0xffff;
	v7 =	vadd.f32 v7, v9  }
0x2ce: {  	v0 =	vadd.f32 v0, v5  }
0x2cf: {  	v5 =	vld.idx.msk [tilespmem:v34+s10+$0x0], $0xffff;
	v7 =	vmax.f32 v7, $1.000000000e+00  }
0x2d0: {  	v0 =	vadd.f32 v3, v0;
	(erf) = vrcp.f32 v7  }
0x2d1: {  	v3 =	vld.idx.msk [tilespmem:v38+s10+$0x0], $0xffff  }
0x2d2: {  	v0 =	vadd.f32 v63, v0  }
0x2d3: {  	v7 =	vld.idx.msk [tilespmem:v42+s10+$0x0], $0xffff  }
0x2d4: {  	v0 =	vadd.f32 v5, v0;
	_ =	sdelay $0x1  }
0x2d5: {  	v0 =	vadd.f32 v3, v0;
	_ =	sdelay $0x1  }
0x2d6: {  	v0 =	vadd.f32 v7, v0  }
0x2d7: {  	v3 =	vpop (erf)  }
0x2d8: {  	v0 =	vmul.f32 v3, v0;
	_ =	sdelay $0x1  }
0x2d9: {  	s13 =	sadd.s32 $0x1, s13;
	v0 =	vadd.f32 v0, v58  }
0x2da: {  	s31 =	sadd.s32 $0x10, s15;
	p0 =	sne.s32 s13, s7  }
.Ltmp1:
0x2db: {  	[tilespmem:s31+$0x0] =	vst v0;
	(pc) =	sbr.rel @p0 .LBB2_1-.Ltmp1, $4  }
0x2dc: {  	[hbm4b:s6+s2] =	stream.linear.scatter [tilespmem:s12], [sflag:$0x2], $0x200, $0x38;
	[tilespmem:$0xCA10] =	vst v63  }
0x2dd: {  	_ =	swait.ge [sflag:s8], $0x200  }
0x2de: {  	[sflag:s8] =	ssyncset.done $0x0  }
0x2df: {  	[sflag:s8] =	ssyncadd.s32 $0xFFFFFE00  }
0x2e0: {  	_ =	sfence.sel $0x180000  }
0x2e1: {  	[bflag:$0x0] =	sbarrier.arrive $0xFFFF  }
0x2e2: {  	p0 =	sne.s32 s0, $0x0;
	_ =	strace $0x90000047  }
0x2e3: {  	s0 =	sadd.s32 @!p0 $0x100000, s1;
	[bflag:$0x2] =	sbarrier.arrive $0xFFFF  }
0x2e4: {  	[sflag:s0] =	ssyncadd.tile.s32 @!p0 $0x1;
	_ =	shalt  }
.Lfunc_end2:
_tile_overlayer_lowered:
.L_overlay_start_2:
0x2e5: {  	(tag) =	ssettag $0x2  }
0x2e6: {  	s0 =	rddreg [dreg:$0x0];
	s2 =	stileid.u32  }
0x2e7: {  	s1 =	rddreg [dreg:$0x1];
	p0 =	sne.s32 s2, $0x0  }
0x2e8: {  	s3 =	rddreg [dreg:$0x2];
	[bflag:$0x3] =	sbarrier.arrive $0xFFFF;
	s2 =	simm.s32 @!p0 $0x1C02  }
0x2e9: {  	[timem:s3], [sflag:s2] =	dma.local @!p0 [hbm:s0], s1  }
0x2ea: {  	s0 =	simm.s32 @!p0 $0x2  }
0x2eb: {  	_ =	swait.ge @!p0 [sflag:s0], s1  }
0x2ec: {  	s1 =	ssub.s32 @!p0 $0x0, s1;
	[sflag:s0] =	ssyncset.done @!p0 $0x0  }
0x2ed: {  	[sflag:s0] =	ssyncadd.s32 @!p0 s1  }
0x2ee: {  	[bflag:$0x3] =	sbarrier.arrive $0xFFFF  }
0x2ef: {  	_ =	shalt  }

</sc_bundles>
